<compile_context>
chip_gen: v7x
topology: tpu7x:2x2x1
jax: 0.10.2.dev20260603
libtpu: 0.0.44.dev20260713+nightly
codegen_flags: <defaults>
</compile_context>

<pallas_src>
import functools

import jax
import jax.numpy as jnp
from jax import lax
from jax.experimental import pallas as pl
from jax.experimental.pallas import tpu as pltpu
from jax.experimental.pallas import tpu_sc as plsc

_EPS = 1e-5


def _sim_block(x_ref, emb_ref, out_ref):
    x = x_ref[...]
    emb = emb_ref[...]
    m = jnp.mean(x, axis=1, keepdims=True)
    q = jnp.mean(x * x, axis=1, keepdims=True)
    v = q - m * m
    xn = ((x - m) * jax.lax.rsqrt(v + _EPS)).astype(jnp.bfloat16)
    out_ref[...] = jax.lax.dot_general(
        emb.astype(jnp.bfloat16), xn, (((1,), (1,)), ((), ())),
        preferred_element_type=jnp.float32,
    )


def _tc_sim(x, emb, n, d, e, block_t=2048):
    return pl.pallas_call(
        _sim_block,
        grid=(n // block_t,),
        in_specs=[
            pl.BlockSpec((block_t, d), lambda i: (i, 0)),
            pl.BlockSpec((e, d), lambda i: (0, 0)),
        ],
        out_specs=pl.BlockSpec((8, block_t), lambda i: (0, i)),
        out_shape=jax.ShapeDtypeStruct((8, n), jnp.float32),
    )(x, emb)


def _make_sc_router(n, temp):
    info = plsc.get_sparse_core_info()
    nc, ns = info.num_cores, info.num_subcores
    nw = nc * ns
    tok_w = n // nw
    chunks = tok_w // 16
    mesh = plsc.VectorSubcoreMesh(core_axis_name="c", subcore_axis_name="s")
    inv_temp = 1.0 / temp

    @functools.partial(
        pl.kernel, mesh=mesh,
        out_type=[jax.ShapeDtypeStruct((2 * n,), jnp.int32),
                  jax.ShapeDtypeStruct((2 * n,), jnp.float32)],
        scratch_types=[pltpu.VMEM((8, tok_w), jnp.float32),
                       pltpu.VMEM((2 * tok_w,), jnp.int32),
                       pltpu.VMEM((2 * tok_w,), jnp.float32)],
    )
    def sc_router(sim_hbm, idx_hbm, prob_hbm, sim_v, idx_v, prob_v):
        wid = lax.axis_index("s") * nc + lax.axis_index("c")
        base = wid * tok_w
        for r in range(8):
            pltpu.sync_copy(sim_hbm.at[r, pl.ds(base, tok_w)], sim_v.at[r])

        lane = lax.iota(jnp.int32, 16)
        pair_src = lane // 2
        even = (lane % 2) == 0

        def interleave(a, b):
            lo = jnp.where(even, a.at[pair_src].get(mode="promise_in_bounds"),
                           b.at[pair_src].get(mode="promise_in_bounds"))
            hi = jnp.where(even, a.at[pair_src + 8].get(mode="promise_in_bounds"),
                           b.at[pair_src + 8].get(mode="promise_in_bounds"))
            return lo, hi

        def body(c, carry):
            t = c * 16
            s = [sim_v[r, pl.ds(t, 16)] for r in range(8)]
            max1 = s[0]
            for r in range(1, 8):
                max1 = jnp.maximum(max1, s[r])
            idx1 = jnp.zeros((16,), jnp.int32)
            for r in range(7, -1, -1):
                idx1 = jnp.where(s[r] == max1, r, idx1)
            neg = jnp.float32(-jnp.inf)
            sm = [jnp.where(idx1 == r, neg, s[r]) for r in range(8)]
            max2 = sm[0]
            for r in range(1, 8):
                max2 = jnp.maximum(max2, sm[r])
            idx2 = jnp.zeros((16,), jnp.int32)
            for r in range(7, -1, -1):
                idx2 = jnp.where(sm[r] == max2, r, idx2)
            e2 = jnp.exp((max2 - max1) * inv_temp)
            denom = 1.0 + e2
            p1 = 1.0 / denom
            p2 = e2 / denom

            idx_v[pl.ds(t, 16)] = idx1
            idx_v[pl.ds(tok_w + t, 16)] = idx2
            prob_v[pl.ds(t, 16)] = p1
            prob_v[pl.ds(tok_w + t, 16)] = p2
            return carry

        lax.fori_loop(0, chunks, body, 0)
        pltpu.sync_copy(idx_v.at[pl.ds(0, tok_w)], idx_hbm.at[pl.ds(base, tok_w)])
        pltpu.sync_copy(idx_v.at[pl.ds(tok_w, tok_w)], idx_hbm.at[pl.ds(n + base, tok_w)])
        pltpu.sync_copy(prob_v.at[pl.ds(0, tok_w)], prob_hbm.at[pl.ds(base, tok_w)])
        pltpu.sync_copy(prob_v.at[pl.ds(tok_w, tok_w)], prob_hbm.at[pl.ds(n + base, tok_w)])

    return sc_router


def kernel(input, expert_embeddings):
    b, s, d = input.shape
    e = expert_embeddings.shape[0]
    n = b * s
    x = input.reshape(n, d)
    sim = _tc_sim(x, expert_embeddings, n, d, e)
    idx_flat, prob_flat = _make_sc_router(n, float(d) ** 0.5)(sim)
    idx = idx_flat.reshape(2, n).T.reshape(b, s, 2)
    probs = prob_flat.reshape(2, n).T.reshape(b, s, 2)
    return idx, probs

# --- scband reference (transcript-rebuilt; emitter-appended) ---
"""Pipeline reference for scband-router-58969900974343 (READ-ONLY COPY).

The authoritative reference and input builder live on the scoring server;
editing this copy changes nothing except your own understanding.
"""

import jax, jax.numpy as jnp
import numpy as np

B, S, D, E, TOP_K = 4, 8192, 1024, 8, 2

def _layernorm(x, eps=1e-5):
    m = jnp.mean(x, axis=-1, keepdims=True)
    v = jnp.var(x, axis=-1, keepdims=True)
    return (x - m) / jnp.sqrt(v + eps)

def setup_inputs(seed: int = 0) -> dict:
    key = jax.random.key(seed)
    k_in, k_emb = jax.random.split(key)
    input = jax.random.normal(k_in, (B, S, D), dtype=jnp.float32)
    # expert_embeddings: stacked gate vectors g.v.T.squeeze() for E experts, each of dim D,
    # already standardized (LayerNorm, no affine) at __init__ time in the torch module.
    raw_emb = jax.random.normal(k_emb, (E, D), dtype=jnp.float32)
    expert_embeddings = _layernorm(raw_emb)
    return {"input": input, "expert_embeddings": expert_embeddings}

def reference(input, expert_embeddings):
    # hard=True, top_k=2, temperature=-1 -> temp = sqrt(d_model)
    x = input.astype(expert_embeddings.dtype)
    x = _layernorm(x)
    sim = jnp.einsum('bsd,ed->bse', x, expert_embeddings)
    temp = np.sqrt(input.shape[-1])
    weights, module_indices = jax.lax.top_k(sim, TOP_K)
    probs = jax.nn.softmax(weights / temp, axis=-1)
    return (module_indices, probs)

if __name__ == "__main__":
    import jax
    _d = setup_inputs()
    print(jax.jit(kernel)(*tuple(_d.values())))

</pallas_src>

<mosaic_0001>
#map = affine_map<(d0, d1) -> (0, 0)>
#map1 = affine_map<(d0, d1) -> (0)>
module attributes {stable_mosaic.version = 14 : i64} {
  func.func @sc_router(%arg0: i32, %arg1: i32, %arg2: memref<8x32768xf32, #tpu.memory_space<hbm>>, %arg3: memref<65536xi32, #tpu.memory_space<hbm>>, %arg4: memref<65536xf32, #tpu.memory_space<hbm>>, %arg5: memref<8x1024xf32, #tpu.memory_space<vmem>>, %arg6: memref<2048xi32, #tpu.memory_space<vmem>>, %arg7: memref<2048xf32, #tpu.memory_space<vmem>>) attributes {dimension_semantics = [#tpu.dimension_semantics<core_parallel>, #tpu.dimension_semantics<subcore_parallel>], iteration_bounds = array<i64: 2, 16>, scalar_prefetch = 0 : i64, scratch_operands = 3 : i64, tpu.core_type = #tpu.core_type<sc_vector_subcore>, window_params = [{transform_indices = #map}, {transform_indices = #map1}, {transform_indices = #map1}]} {
    %mul3A = arith.constant 2 : i32
    %mul3A_0 = arith.muli %arg1, %mul3A : i32
    %add3A = arith.addi %mul3A_0, %arg0 : i32
    %mul3A_1 = arith.constant 1024 : i32
    %mul3A_2 = arith.muli %add3A, %mul3A_1 : i32
    %run_scoped3A = arith.constant 0 : i32
    %run_scoped3A_3 = arith.constant 0 : i32
    "tpu.region"() ({
      %run_scoped3A_73 = tpu.sem_alloc : memref<!tpu.dma_semaphore, #tpu.memory_space<semaphore_mem>>
      %dma_start3A = arith.constant 0 : i32
      %dma_start3A_74 = tpu.memref_slice %arg5[%run_scoped3A_3, %dma_start3A] : memref<8x1024xf32, #tpu.memory_space<vmem>> -> memref<1x1024xf32, #tpu.memory_space<vmem>>
      %dma_start3A_75 = tpu.memref_squeeze %dma_start3A_74 : memref<1x1024xf32, #tpu.memory_space<vmem>> -> memref<1024xf32, #tpu.memory_space<vmem>>
      %dma_start3A_76 = tpu.memref_slice %arg2[%run_scoped3A, %mul3A_2] : memref<8x32768xf32, #tpu.memory_space<hbm>> -> memref<1x1024xf32, #tpu.memory_space<hbm>>
      %dma_start3A_77 = tpu.memref_squeeze %dma_start3A_76 : memref<1x1024xf32, #tpu.memory_space<hbm>> -> memref<1024xf32, #tpu.memory_space<hbm>>
      %dma_start3A_78 = arith.constant 0 : i32
      %dma_start3A_79 = tpu.memref_slice %arg5[%run_scoped3A_3, %dma_start3A_78] : memref<8x1024xf32, #tpu.memory_space<vmem>> -> memref<1x1024xf32, #tpu.memory_space<vmem>>
      %dma_start3A_80 = tpu.memref_squeeze %dma_start3A_79 : memref<1x1024xf32, #tpu.memory_space<vmem>> -> memref<1024xf32, #tpu.memory_space<vmem>>
      %dma_start3A_81 = tpu.memref_slice %arg2[%run_scoped3A, %mul3A_2] : memref<8x32768xf32, #tpu.memory_space<hbm>> -> memref<1x1024xf32, #tpu.memory_space<hbm>>
      %dma_start3A_82 = tpu.memref_squeeze %dma_start3A_81 : memref<1x1024xf32, #tpu.memory_space<hbm>> -> memref<1024xf32, #tpu.memory_space<hbm>>
      tpu.enqueue_dma source(%dma_start3A_82 : memref<1024xf32, #tpu.memory_space<hbm>>) target(%dma_start3A_80 : memref<1024xf32, #tpu.memory_space<vmem>>) target_semaphore(%run_scoped3A_73 : memref<!tpu.dma_semaphore, #tpu.memory_space<semaphore_mem>>)
      %dma_wait3A = arith.constant 0 : i32
      %dma_wait3A_83 = tpu.memref_slice %arg5[%run_scoped3A_3, %dma_wait3A] : memref<8x1024xf32, #tpu.memory_space<vmem>> -> memref<1x1024xf32, #tpu.memory_space<vmem>>
      %dma_wait3A_84 = tpu.memref_squeeze %dma_wait3A_83 : memref<1x1024xf32, #tpu.memory_space<vmem>> -> memref<1024xf32, #tpu.memory_space<vmem>>
      %dma_wait3A_85 = tpu.memref_slice %arg2[%run_scoped3A, %mul3A_2] : memref<8x32768xf32, #tpu.memory_space<hbm>> -> memref<1x1024xf32, #tpu.memory_space<hbm>>
      %dma_wait3A_86 = tpu.memref_squeeze %dma_wait3A_85 : memref<1x1024xf32, #tpu.memory_space<hbm>> -> memref<1024xf32, #tpu.memory_space<hbm>>
      %dma_wait3A_87 = arith.constant 0 : i32
      %dma_wait3A_88 = tpu.memref_slice %arg5[%run_scoped3A_3, %dma_wait3A_87] : memref<8x1024xf32, #tpu.memory_space<vmem>> -> memref<1x1024xf32, #tpu.memory_space<vmem>>
      %dma_wait3A_89 = tpu.memref_squeeze %dma_wait3A_88 : memref<1x1024xf32, #tpu.memory_space<vmem>> -> memref<1024xf32, #tpu.memory_space<vmem>>
      %dma_wait3A_90 = tpu.memref_slice %arg2[%run_scoped3A, %mul3A_2] : memref<8x32768xf32, #tpu.memory_space<hbm>> -> memref<1x1024xf32, #tpu.memory_space<hbm>>
      %dma_wait3A_91 = tpu.memref_squeeze %dma_wait3A_90 : memref<1x1024xf32, #tpu.memory_space<hbm>> -> memref<1024xf32, #tpu.memory_space<hbm>>
      tpu.wait_dma2 semaphore(%run_scoped3A_73 : memref<!tpu.dma_semaphore, #tpu.memory_space<semaphore_mem>>) src(%dma_wait3A_91 : memref<1024xf32, #tpu.memory_space<hbm>>) dst(%dma_wait3A_89 : memref<1024xf32, #tpu.memory_space<vmem>>)
      tpu.yield
    }) : () -> ()
    %run_scoped3A_4 = arith.constant 1 : i32
    %run_scoped3A_5 = arith.constant 1 : i32
    "tpu.region"() ({
      %run_scoped3A_73 = tpu.sem_alloc : memref<!tpu.dma_semaphore, #tpu.memory_space<semaphore_mem>>
      %dma_start3A = arith.constant 0 : i32
      %dma_start3A_74 = tpu.memref_slice %arg5[%run_scoped3A_5, %dma_start3A] : memref<8x1024xf32, #tpu.memory_space<vmem>> -> memref<1x1024xf32, #tpu.memory_space<vmem>>
      %dma_start3A_75 = tpu.memref_squeeze %dma_start3A_74 : memref<1x1024xf32, #tpu.memory_space<vmem>> -> memref<1024xf32, #tpu.memory_space<vmem>>
      %dma_start3A_76 = tpu.memref_slice %arg2[%run_scoped3A_4, %mul3A_2] : memref<8x32768xf32, #tpu.memory_space<hbm>> -> memref<1x1024xf32, #tpu.memory_space<hbm>>
      %dma_start3A_77 = tpu.memref_squeeze %dma_start3A_76 : memref<1x1024xf32, #tpu.memory_space<hbm>> -> memref<1024xf32, #tpu.memory_space<hbm>>
      %dma_start3A_78 = arith.constant 0 : i32
      %dma_start3A_79 = tpu.memref_slice %arg5[%run_scoped3A_5, %dma_start3A_78] : memref<8x1024xf32, #tpu.memory_space<vmem>> -> memref<1x1024xf32, #tpu.memory_space<vmem>>
      %dma_start3A_80 = tpu.memref_squeeze %dma_start3A_79 : memref<1x1024xf32, #tpu.memory_space<vmem>> -> memref<1024xf32, #tpu.memory_space<vmem>>
      %dma_start3A_81 = tpu.memref_slice %arg2[%run_scoped3A_4, %mul3A_2] : memref<8x32768xf32, #tpu.memory_space<hbm>> -> memref<1x1024xf32, #tpu.memory_space<hbm>>
      %dma_start3A_82 = tpu.memref_squeeze %dma_start3A_81 : memref<1x1024xf32, #tpu.memory_space<hbm>> -> memref<1024xf32, #tpu.memory_space<hbm>>
      tpu.enqueue_dma source(%dma_start3A_82 : memref<1024xf32, #tpu.memory_space<hbm>>) target(%dma_start3A_80 : memref<1024xf32, #tpu.memory_space<vmem>>) target_semaphore(%run_scoped3A_73 : memref<!tpu.dma_semaphore, #tpu.memory_space<semaphore_mem>>)
      %dma_wait3A = arith.constant 0 : i32
      %dma_wait3A_83 = tpu.memref_slice %arg5[%run_scoped3A_5, %dma_wait3A] : memref<8x1024xf32, #tpu.memory_space<vmem>> -> memref<1x1024xf32, #tpu.memory_space<vmem>>
      %dma_wait3A_84 = tpu.memref_squeeze %dma_wait3A_83 : memref<1x1024xf32, #tpu.memory_space<vmem>> -> memref<1024xf32, #tpu.memory_space<vmem>>
      %dma_wait3A_85 = tpu.memref_slice %arg2[%run_scoped3A_4, %mul3A_2] : memref<8x32768xf32, #tpu.memory_space<hbm>> -> memref<1x1024xf32, #tpu.memory_space<hbm>>
      %dma_wait3A_86 = tpu.memref_squeeze %dma_wait3A_85 : memref<1x1024xf32, #tpu.memory_space<hbm>> -> memref<1024xf32, #tpu.memory_space<hbm>>
      %dma_wait3A_87 = arith.constant 0 : i32
      %dma_wait3A_88 = tpu.memref_slice %arg5[%run_scoped3A_5, %dma_wait3A_87] : memref<8x1024xf32, #tpu.memory_space<vmem>> -> memref<1x1024xf32, #tpu.memory_space<vmem>>
      %dma_wait3A_89 = tpu.memref_squeeze %dma_wait3A_88 : memref<1x1024xf32, #tpu.memory_space<vmem>> -> memref<1024xf32, #tpu.memory_space<vmem>>
      %dma_wait3A_90 = tpu.memref_slice %arg2[%run_scoped3A_4, %mul3A_2] : memref<8x32768xf32, #tpu.memory_space<hbm>> -> memref<1x1024xf32, #tpu.memory_space<hbm>>
      %dma_wait3A_91 = tpu.memref_squeeze %dma_wait3A_90 : memref<1x1024xf32, #tpu.memory_space<hbm>> -> memref<1024xf32, #tpu.memory_space<hbm>>
      tpu.wait_dma2 semaphore(%run_scoped3A_73 : memref<!tpu.dma_semaphore, #tpu.memory_space<semaphore_mem>>) src(%dma_wait3A_91 : memref<1024xf32, #tpu.memory_space<hbm>>) dst(%dma_wait3A_89 : memref<1024xf32, #tpu.memory_space<vmem>>)
      tpu.yield
    }) : () -> ()
    %run_scoped3A_6 = arith.constant 2 : i32
    %run_scoped3A_7 = arith.constant 2 : i32
    "tpu.region"() ({
      %run_scoped3A_73 = tpu.sem_alloc : memref<!tpu.dma_semaphore, #tpu.memory_space<semaphore_mem>>
      %dma_start3A = arith.constant 0 : i32
      %dma_start3A_74 = tpu.memref_slice %arg5[%run_scoped3A_7, %dma_start3A] : memref<8x1024xf32, #tpu.memory_space<vmem>> -> memref<1x1024xf32, #tpu.memory_space<vmem>>
      %dma_start3A_75 = tpu.memref_squeeze %dma_start3A_74 : memref<1x1024xf32, #tpu.memory_space<vmem>> -> memref<1024xf32, #tpu.memory_space<vmem>>
      %dma_start3A_76 = tpu.memref_slice %arg2[%run_scoped3A_6, %mul3A_2] : memref<8x32768xf32, #tpu.memory_space<hbm>> -> memref<1x1024xf32, #tpu.memory_space<hbm>>
      %dma_start3A_77 = tpu.memref_squeeze %dma_start3A_76 : memref<1x1024xf32, #tpu.memory_space<hbm>> -> memref<1024xf32, #tpu.memory_space<hbm>>
      %dma_start3A_78 = arith.constant 0 : i32
      %dma_start3A_79 = tpu.memref_slice %arg5[%run_scoped3A_7, %dma_start3A_78] : memref<8x1024xf32, #tpu.memory_space<vmem>> -> memref<1x1024xf32, #tpu.memory_space<vmem>>
      %dma_start3A_80 = tpu.memref_squeeze %dma_start3A_79 : memref<1x1024xf32, #tpu.memory_space<vmem>> -> memref<1024xf32, #tpu.memory_space<vmem>>
      %dma_start3A_81 = tpu.memref_slice %arg2[%run_scoped3A_6, %mul3A_2] : memref<8x32768xf32, #tpu.memory_space<hbm>> -> memref<1x1024xf32, #tpu.memory_space<hbm>>
      %dma_start3A_82 = tpu.memref_squeeze %dma_start3A_81 : memref<1x1024xf32, #tpu.memory_space<hbm>> -> memref<1024xf32, #tpu.memory_space<hbm>>
      tpu.enqueue_dma source(%dma_start3A_82 : memref<1024xf32, #tpu.memory_space<hbm>>) target(%dma_start3A_80 : memref<1024xf32, #tpu.memory_space<vmem>>) target_semaphore(%run_scoped3A_73 : memref<!tpu.dma_semaphore, #tpu.memory_space<semaphore_mem>>)
      %dma_wait3A = arith.constant 0 : i32
      %dma_wait3A_83 = tpu.memref_slice %arg5[%run_scoped3A_7, %dma_wait3A] : memref<8x1024xf32, #tpu.memory_space<vmem>> -> memref<1x1024xf32, #tpu.memory_space<vmem>>
      %dma_wait3A_84 = tpu.memref_squeeze %dma_wait3A_83 : memref<1x1024xf32, #tpu.memory_space<vmem>> -> memref<1024xf32, #tpu.memory_space<vmem>>
      %dma_wait3A_85 = tpu.memref_slice %arg2[%run_scoped3A_6, %mul3A_2] : memref<8x32768xf32, #tpu.memory_space<hbm>> -> memref<1x1024xf32, #tpu.memory_space<hbm>>
      %dma_wait3A_86 = tpu.memref_squeeze %dma_wait3A_85 : memref<1x1024xf32, #tpu.memory_space<hbm>> -> memref<1024xf32, #tpu.memory_space<hbm>>
      %dma_wait3A_87 = arith.constant 0 : i32
      %dma_wait3A_88 = tpu.memref_slice %arg5[%run_scoped3A_7, %dma_wait3A_87] : memref<8x1024xf32, #tpu.memory_space<vmem>> -> memref<1x1024xf32, #tpu.memory_space<vmem>>
      %dma_wait3A_89 = tpu.memref_squeeze %dma_wait3A_88 : memref<1x1024xf32, #tpu.memory_space<vmem>> -> memref<1024xf32, #tpu.memory_space<vmem>>
      %dma_wait3A_90 = tpu.memref_slice %arg2[%run_scoped3A_6, %mul3A_2] : memref<8x32768xf32, #tpu.memory_space<hbm>> -> memref<1x1024xf32, #tpu.memory_space<hbm>>
      %dma_wait3A_91 = tpu.memref_squeeze %dma_wait3A_90 : memref<1x1024xf32, #tpu.memory_space<hbm>> -> memref<1024xf32, #tpu.memory_space<hbm>>
      tpu.wait_dma2 semaphore(%run_scoped3A_73 : memref<!tpu.dma_semaphore, #tpu.memory_space<semaphore_mem>>) src(%dma_wait3A_91 : memref<1024xf32, #tpu.memory_space<hbm>>) dst(%dma_wait3A_89 : memref<1024xf32, #tpu.memory_space<vmem>>)
      tpu.yield
    }) : () -> ()
    %run_scoped3A_8 = arith.constant 3 : i32
    %run_scoped3A_9 = arith.constant 3 : i32
    "tpu.region"() ({
      %run_scoped3A_73 = tpu.sem_alloc : memref<!tpu.dma_semaphore, #tpu.memory_space<semaphore_mem>>
      %dma_start3A = arith.constant 0 : i32
      %dma_start3A_74 = tpu.memref_slice %arg5[%run_scoped3A_9, %dma_start3A] : memref<8x1024xf32, #tpu.memory_space<vmem>> -> memref<1x1024xf32, #tpu.memory_space<vmem>>
      %dma_start3A_75 = tpu.memref_squeeze %dma_start3A_74 : memref<1x1024xf32, #tpu.memory_space<vmem>> -> memref<1024xf32, #tpu.memory_space<vmem>>
      %dma_start3A_76 = tpu.memref_slice %arg2[%run_scoped3A_8, %mul3A_2] : memref<8x32768xf32, #tpu.memory_space<hbm>> -> memref<1x1024xf32, #tpu.memory_space<hbm>>
      %dma_start3A_77 = tpu.memref_squeeze %dma_start3A_76 : memref<1x1024xf32, #tpu.memory_space<hbm>> -> memref<1024xf32, #tpu.memory_space<hbm>>
      %dma_start3A_78 = arith.constant 0 : i32
      %dma_start3A_79 = tpu.memref_slice %arg5[%run_scoped3A_9, %dma_start3A_78] : memref<8x1024xf32, #tpu.memory_space<vmem>> -> memref<1x1024xf32, #tpu.memory_space<vmem>>
      %dma_start3A_80 = tpu.memref_squeeze %dma_start3A_79 : memref<1x1024xf32, #tpu.memory_space<vmem>> -> memref<1024xf32, #tpu.memory_space<vmem>>
      %dma_start3A_81 = tpu.memref_slice %arg2[%run_scoped3A_8, %mul3A_2] : memref<8x32768xf32, #tpu.memory_space<hbm>> -> memref<1x1024xf32, #tpu.memory_space<hbm>>
      %dma_start3A_82 = tpu.memref_squeeze %dma_start3A_81 : memref<1x1024xf32, #tpu.memory_space<hbm>> -> memref<1024xf32, #tpu.memory_space<hbm>>
      tpu.enqueue_dma source(%dma_start3A_82 : memref<1024xf32, #tpu.memory_space<hbm>>) target(%dma_start3A_80 : memref<1024xf32, #tpu.memory_space<vmem>>) target_semaphore(%run_scoped3A_73 : memref<!tpu.dma_semaphore, #tpu.memory_space<semaphore_mem>>)
      %dma_wait3A = arith.constant 0 : i32
      %dma_wait3A_83 = tpu.memref_slice %arg5[%run_scoped3A_9, %dma_wait3A] : memref<8x1024xf32, #tpu.memory_space<vmem>> -> memref<1x1024xf32, #tpu.memory_space<vmem>>
      %dma_wait3A_84 = tpu.memref_squeeze %dma_wait3A_83 : memref<1x1024xf32, #tpu.memory_space<vmem>> -> memref<1024xf32, #tpu.memory_space<vmem>>
      %dma_wait3A_85 = tpu.memref_slice %arg2[%run_scoped3A_8, %mul3A_2] : memref<8x32768xf32, #tpu.memory_space<hbm>> -> memref<1x1024xf32, #tpu.memory_space<hbm>>
      %dma_wait3A_86 = tpu.memref_squeeze %dma_wait3A_85 : memref<1x1024xf32, #tpu.memory_space<hbm>> -> memref<1024xf32, #tpu.memory_space<hbm>>
      %dma_wait3A_87 = arith.constant 0 : i32
      %dma_wait3A_88 = tpu.memref_slice %arg5[%run_scoped3A_9, %dma_wait3A_87] : memref<8x1024xf32, #tpu.memory_space<vmem>> -> memref<1x1024xf32, #tpu.memory_space<vmem>>
      %dma_wait3A_89 = tpu.memref_squeeze %dma_wait3A_88 : memref<1x1024xf32, #tpu.memory_space<vmem>> -> memref<1024xf32, #tpu.memory_space<vmem>>
      %dma_wait3A_90 = tpu.memref_slice %arg2[%run_scoped3A_8, %mul3A_2] : memref<8x32768xf32, #tpu.memory_space<hbm>> -> memref<1x1024xf32, #tpu.memory_space<hbm>>
      %dma_wait3A_91 = tpu.memref_squeeze %dma_wait3A_90 : memref<1x1024xf32, #tpu.memory_space<hbm>> -> memref<1024xf32, #tpu.memory_space<hbm>>
      tpu.wait_dma2 semaphore(%run_scoped3A_73 : memref<!tpu.dma_semaphore, #tpu.memory_space<semaphore_mem>>) src(%dma_wait3A_91 : memref<1024xf32, #tpu.memory_space<hbm>>) dst(%dma_wait3A_89 : memref<1024xf32, #tpu.memory_space<vmem>>)
      tpu.yield
    }) : () -> ()
    %run_scoped3A_10 = arith.constant 4 : i32
    %run_scoped3A_11 = arith.constant 4 : i32
    "tpu.region"() ({
      %run_scoped3A_73 = tpu.sem_alloc : memref<!tpu.dma_semaphore, #tpu.memory_space<semaphore_mem>>
      %dma_start3A = arith.constant 0 : i32
      %dma_start3A_74 = tpu.memref_slice %arg5[%run_scoped3A_11, %dma_start3A] : memref<8x1024xf32, #tpu.memory_space<vmem>> -> memref<1x1024xf32, #tpu.memory_space<vmem>>
      %dma_start3A_75 = tpu.memref_squeeze %dma_start3A_74 : memref<1x1024xf32, #tpu.memory_space<vmem>> -> memref<1024xf32, #tpu.memory_space<vmem>>
      %dma_start3A_76 = tpu.memref_slice %arg2[%run_scoped3A_10, %mul3A_2] : memref<8x32768xf32, #tpu.memory_space<hbm>> -> memref<1x1024xf32, #tpu.memory_space<hbm>>
      %dma_start3A_77 = tpu.memref_squeeze %dma_start3A_76 : memref<1x1024xf32, #tpu.memory_space<hbm>> -> memref<1024xf32, #tpu.memory_space<hbm>>
      %dma_start3A_78 = arith.constant 0 : i32
      %dma_start3A_79 = tpu.memref_slice %arg5[%run_scoped3A_11, %dma_start3A_78] : memref<8x1024xf32, #tpu.memory_space<vmem>> -> memref<1x1024xf32, #tpu.memory_space<vmem>>
      %dma_start3A_80 = tpu.memref_squeeze %dma_start3A_79 : memref<1x1024xf32, #tpu.memory_space<vmem>> -> memref<1024xf32, #tpu.memory_space<vmem>>
      %dma_start3A_81 = tpu.memref_slice %arg2[%run_scoped3A_10, %mul3A_2] : memref<8x32768xf32, #tpu.memory_space<hbm>> -> memref<1x1024xf32, #tpu.memory_space<hbm>>
      %dma_start3A_82 = tpu.memref_squeeze %dma_start3A_81 : memref<1x1024xf32, #tpu.memory_space<hbm>> -> memref<1024xf32, #tpu.memory_space<hbm>>
      tpu.enqueue_dma source(%dma_start3A_82 : memref<1024xf32, #tpu.memory_space<hbm>>) target(%dma_start3A_80 : memref<1024xf32, #tpu.memory_space<vmem>>) target_semaphore(%run_scoped3A_73 : memref<!tpu.dma_semaphore, #tpu.memory_space<semaphore_mem>>)
      %dma_wait3A = arith.constant 0 : i32
      %dma_wait3A_83 = tpu.memref_slice %arg5[%run_scoped3A_11, %dma_wait3A] : memref<8x1024xf32, #tpu.memory_space<vmem>> -> memref<1x1024xf32, #tpu.memory_space<vmem>>
      %dma_wait3A_84 = tpu.memref_squeeze %dma_wait3A_83 : memref<1x1024xf32, #tpu.memory_space<vmem>> -> memref<1024xf32, #tpu.memory_space<vmem>>
      %dma_wait3A_85 = tpu.memref_slice %arg2[%run_scoped3A_10, %mul3A_2] : memref<8x32768xf32, #tpu.memory_space<hbm>> -> memref<1x1024xf32, #tpu.memory_space<hbm>>
      %dma_wait3A_86 = tpu.memref_squeeze %dma_wait3A_85 : memref<1x1024xf32, #tpu.memory_space<hbm>> -> memref<1024xf32, #tpu.memory_space<hbm>>
      %dma_wait3A_87 = arith.constant 0 : i32
      %dma_wait3A_88 = tpu.memref_slice %arg5[%run_scoped3A_11, %dma_wait3A_87] : memref<8x1024xf32, #tpu.memory_space<vmem>> -> memref<1x1024xf32, #tpu.memory_space<vmem>>
      %dma_wait3A_89 = tpu.memref_squeeze %dma_wait3A_88 : memref<1x1024xf32, #tpu.memory_space<vmem>> -> memref<1024xf32, #tpu.memory_space<vmem>>
      %dma_wait3A_90 = tpu.memref_slice %arg2[%run_scoped3A_10, %mul3A_2] : memref<8x32768xf32, #tpu.memory_space<hbm>> -> memref<1x1024xf32, #tpu.memory_space<hbm>>
      %dma_wait3A_91 = tpu.memref_squeeze %dma_wait3A_90 : memref<1x1024xf32, #tpu.memory_space<hbm>> -> memref<1024xf32, #tpu.memory_space<hbm>>
      tpu.wait_dma2 semaphore(%run_scoped3A_73 : memref<!tpu.dma_semaphore, #tpu.memory_space<semaphore_mem>>) src(%dma_wait3A_91 : memref<1024xf32, #tpu.memory_space<hbm>>) dst(%dma_wait3A_89 : memref<1024xf32, #tpu.memory_space<vmem>>)
      tpu.yield
    }) : () -> ()
    %run_scoped3A_12 = arith.constant 5 : i32
    %run_scoped3A_13 = arith.constant 5 : i32
    "tpu.region"() ({
      %run_scoped3A_73 = tpu.sem_alloc : memref<!tpu.dma_semaphore, #tpu.memory_space<semaphore_mem>>
      %dma_start3A = arith.constant 0 : i32
      %dma_start3A_74 = tpu.memref_slice %arg5[%run_scoped3A_13, %dma_start3A] : memref<8x1024xf32, #tpu.memory_space<vmem>> -> memref<1x1024xf32, #tpu.memory_space<vmem>>
      %dma_start3A_75 = tpu.memref_squeeze %dma_start3A_74 : memref<1x1024xf32, #tpu.memory_space<vmem>> -> memref<1024xf32, #tpu.memory_space<vmem>>
      %dma_start3A_76 = tpu.memref_slice %arg2[%run_scoped3A_12, %mul3A_2] : memref<8x32768xf32, #tpu.memory_space<hbm>> -> memref<1x1024xf32, #tpu.memory_space<hbm>>
      %dma_start3A_77 = tpu.memref_squeeze %dma_start3A_76 : memref<1x1024xf32, #tpu.memory_space<hbm>> -> memref<1024xf32, #tpu.memory_space<hbm>>
      %dma_start3A_78 = arith.constant 0 : i32
      %dma_start3A_79 = tpu.memref_slice %arg5[%run_scoped3A_13, %dma_start3A_78] : memref<8x1024xf32, #tpu.memory_space<vmem>> -> memref<1x1024xf32, #tpu.memory_space<vmem>>
      %dma_start3A_80 = tpu.memref_squeeze %dma_start3A_79 : memref<1x1024xf32, #tpu.memory_space<vmem>> -> memref<1024xf32, #tpu.memory_space<vmem>>
      %dma_start3A_81 = tpu.memref_slice %arg2[%run_scoped3A_12, %mul3A_2] : memref<8x32768xf32, #tpu.memory_space<hbm>> -> memref<1x1024xf32, #tpu.memory_space<hbm>>
      %dma_start3A_82 = tpu.memref_squeeze %dma_start3A_81 : memref<1x1024xf32, #tpu.memory_space<hbm>> -> memref<1024xf32, #tpu.memory_space<hbm>>
      tpu.enqueue_dma source(%dma_start3A_82 : memref<1024xf32, #tpu.memory_space<hbm>>) target(%dma_start3A_80 : memref<1024xf32, #tpu.memory_space<vmem>>) target_semaphore(%run_scoped3A_73 : memref<!tpu.dma_semaphore, #tpu.memory_space<semaphore_mem>>)
      %dma_wait3A = arith.constant 0 : i32
      %dma_wait3A_83 = tpu.memref_slice %arg5[%run_scoped3A_13, %dma_wait3A] : memref<8x1024xf32, #tpu.memory_space<vmem>> -> memref<1x1024xf32, #tpu.memory_space<vmem>>
      %dma_wait3A_84 = tpu.memref_squeeze %dma_wait3A_83 : memref<1x1024xf32, #tpu.memory_space<vmem>> -> memref<1024xf32, #tpu.memory_space<vmem>>
      %dma_wait3A_85 = tpu.memref_slice %arg2[%run_scoped3A_12, %mul3A_2] : memref<8x32768xf32, #tpu.memory_space<hbm>> -> memref<1x1024xf32, #tpu.memory_space<hbm>>
      %dma_wait3A_86 = tpu.memref_squeeze %dma_wait3A_85 : memref<1x1024xf32, #tpu.memory_space<hbm>> -> memref<1024xf32, #tpu.memory_space<hbm>>
      %dma_wait3A_87 = arith.constant 0 : i32
      %dma_wait3A_88 = tpu.memref_slice %arg5[%run_scoped3A_13, %dma_wait3A_87] : memref<8x1024xf32, #tpu.memory_space<vmem>> -> memref<1x1024xf32, #tpu.memory_space<vmem>>
      %dma_wait3A_89 = tpu.memref_squeeze %dma_wait3A_88 : memref<1x1024xf32, #tpu.memory_space<vmem>> -> memref<1024xf32, #tpu.memory_space<vmem>>
      %dma_wait3A_90 = tpu.memref_slice %arg2[%run_scoped3A_12, %mul3A_2] : memref<8x32768xf32, #tpu.memory_space<hbm>> -> memref<1x1024xf32, #tpu.memory_space<hbm>>
      %dma_wait3A_91 = tpu.memref_squeeze %dma_wait3A_90 : memref<1x1024xf32, #tpu.memory_space<hbm>> -> memref<1024xf32, #tpu.memory_space<hbm>>
      tpu.wait_dma2 semaphore(%run_scoped3A_73 : memref<!tpu.dma_semaphore, #tpu.memory_space<semaphore_mem>>) src(%dma_wait3A_91 : memref<1024xf32, #tpu.memory_space<hbm>>) dst(%dma_wait3A_89 : memref<1024xf32, #tpu.memory_space<vmem>>)
      tpu.yield
    }) : () -> ()
    %run_scoped3A_14 = arith.constant 6 : i32
    %run_scoped3A_15 = arith.constant 6 : i32
    "tpu.region"() ({
      %run_scoped3A_73 = tpu.sem_alloc : memref<!tpu.dma_semaphore, #tpu.memory_space<semaphore_mem>>
      %dma_start3A = arith.constant 0 : i32
      %dma_start3A_74 = tpu.memref_slice %arg5[%run_scoped3A_15, %dma_start3A] : memref<8x1024xf32, #tpu.memory_space<vmem>> -> memref<1x1024xf32, #tpu.memory_space<vmem>>
      %dma_start3A_75 = tpu.memref_squeeze %dma_start3A_74 : memref<1x1024xf32, #tpu.memory_space<vmem>> -> memref<1024xf32, #tpu.memory_space<vmem>>
      %dma_start3A_76 = tpu.memref_slice %arg2[%run_scoped3A_14, %mul3A_2] : memref<8x32768xf32, #tpu.memory_space<hbm>> -> memref<1x1024xf32, #tpu.memory_space<hbm>>
      %dma_start3A_77 = tpu.memref_squeeze %dma_start3A_76 : memref<1x1024xf32, #tpu.memory_space<hbm>> -> memref<1024xf32, #tpu.memory_space<hbm>>
      %dma_start3A_78 = arith.constant 0 : i32
      %dma_start3A_79 = tpu.memref_slice %arg5[%run_scoped3A_15, %dma_start3A_78] : memref<8x1024xf32, #tpu.memory_space<vmem>> -> memref<1x1024xf32, #tpu.memory_space<vmem>>
      %dma_start3A_80 = tpu.memref_squeeze %dma_start3A_79 : memref<1x1024xf32, #tpu.memory_space<vmem>> -> memref<1024xf32, #tpu.memory_space<vmem>>
      %dma_start3A_81 = tpu.memref_slice %arg2[%run_scoped3A_14, %mul3A_2] : memref<8x32768xf32, #tpu.memory_space<hbm>> -> memref<1x1024xf32, #tpu.memory_space<hbm>>
      %dma_start3A_82 = tpu.memref_squeeze %dma_start3A_81 : memref<1x1024xf32, #tpu.memory_space<hbm>> -> memref<1024xf32, #tpu.memory_space<hbm>>
      tpu.enqueue_dma source(%dma_start3A_82 : memref<1024xf32, #tpu.memory_space<hbm>>) target(%dma_start3A_80 : memref<1024xf32, #tpu.memory_space<vmem>>) target_semaphore(%run_scoped3A_73 : memref<!tpu.dma_semaphore, #tpu.memory_space<semaphore_mem>>)
      %dma_wait3A = arith.constant 0 : i32
      %dma_wait3A_83 = tpu.memref_slice %arg5[%run_scoped3A_15, %dma_wait3A] : memref<8x1024xf32, #tpu.memory_space<vmem>> -> memref<1x1024xf32, #tpu.memory_space<vmem>>
      %dma_wait3A_84 = tpu.memref_squeeze %dma_wait3A_83 : memref<1x1024xf32, #tpu.memory_space<vmem>> -> memref<1024xf32, #tpu.memory_space<vmem>>
      %dma_wait3A_85 = tpu.memref_slice %arg2[%run_scoped3A_14, %mul3A_2] : memref<8x32768xf32, #tpu.memory_space<hbm>> -> memref<1x1024xf32, #tpu.memory_space<hbm>>
      %dma_wait3A_86 = tpu.memref_squeeze %dma_wait3A_85 : memref<1x1024xf32, #tpu.memory_space<hbm>> -> memref<1024xf32, #tpu.memory_space<hbm>>
      %dma_wait3A_87 = arith.constant 0 : i32
      %dma_wait3A_88 = tpu.memref_slice %arg5[%run_scoped3A_15, %dma_wait3A_87] : memref<8x1024xf32, #tpu.memory_space<vmem>> -> memref<1x1024xf32, #tpu.memory_space<vmem>>
      %dma_wait3A_89 = tpu.memref_squeeze %dma_wait3A_88 : memref<1x1024xf32, #tpu.memory_space<vmem>> -> memref<1024xf32, #tpu.memory_space<vmem>>
      %dma_wait3A_90 = tpu.memref_slice %arg2[%run_scoped3A_14, %mul3A_2] : memref<8x32768xf32, #tpu.memory_space<hbm>> -> memref<1x1024xf32, #tpu.memory_space<hbm>>
      %dma_wait3A_91 = tpu.memref_squeeze %dma_wait3A_90 : memref<1x1024xf32, #tpu.memory_space<hbm>> -> memref<1024xf32, #tpu.memory_space<hbm>>
      tpu.wait_dma2 semaphore(%run_scoped3A_73 : memref<!tpu.dma_semaphore, #tpu.memory_space<semaphore_mem>>) src(%dma_wait3A_91 : memref<1024xf32, #tpu.memory_space<hbm>>) dst(%dma_wait3A_89 : memref<1024xf32, #tpu.memory_space<vmem>>)
      tpu.yield
    }) : () -> ()
    %run_scoped3A_16 = arith.constant 7 : i32
    %run_scoped3A_17 = arith.constant 7 : i32
    "tpu.region"() ({
      %run_scoped3A_73 = tpu.sem_alloc : memref<!tpu.dma_semaphore, #tpu.memory_space<semaphore_mem>>
      %dma_start3A = arith.constant 0 : i32
      %dma_start3A_74 = tpu.memref_slice %arg5[%run_scoped3A_17, %dma_start3A] : memref<8x1024xf32, #tpu.memory_space<vmem>> -> memref<1x1024xf32, #tpu.memory_space<vmem>>
      %dma_start3A_75 = tpu.memref_squeeze %dma_start3A_74 : memref<1x1024xf32, #tpu.memory_space<vmem>> -> memref<1024xf32, #tpu.memory_space<vmem>>
      %dma_start3A_76 = tpu.memref_slice %arg2[%run_scoped3A_16, %mul3A_2] : memref<8x32768xf32, #tpu.memory_space<hbm>> -> memref<1x1024xf32, #tpu.memory_space<hbm>>
      %dma_start3A_77 = tpu.memref_squeeze %dma_start3A_76 : memref<1x1024xf32, #tpu.memory_space<hbm>> -> memref<1024xf32, #tpu.memory_space<hbm>>
      %dma_start3A_78 = arith.constant 0 : i32
      %dma_start3A_79 = tpu.memref_slice %arg5[%run_scoped3A_17, %dma_start3A_78] : memref<8x1024xf32, #tpu.memory_space<vmem>> -> memref<1x1024xf32, #tpu.memory_space<vmem>>
      %dma_start3A_80 = tpu.memref_squeeze %dma_start3A_79 : memref<1x1024xf32, #tpu.memory_space<vmem>> -> memref<1024xf32, #tpu.memory_space<vmem>>
      %dma_start3A_81 = tpu.memref_slice %arg2[%run_scoped3A_16, %mul3A_2] : memref<8x32768xf32, #tpu.memory_space<hbm>> -> memref<1x1024xf32, #tpu.memory_space<hbm>>
      %dma_start3A_82 = tpu.memref_squeeze %dma_start3A_81 : memref<1x1024xf32, #tpu.memory_space<hbm>> -> memref<1024xf32, #tpu.memory_space<hbm>>
      tpu.enqueue_dma source(%dma_start3A_82 : memref<1024xf32, #tpu.memory_space<hbm>>) target(%dma_start3A_80 : memref<1024xf32, #tpu.memory_space<vmem>>) target_semaphore(%run_scoped3A_73 : memref<!tpu.dma_semaphore, #tpu.memory_space<semaphore_mem>>)
      %dma_wait3A = arith.constant 0 : i32
      %dma_wait3A_83 = tpu.memref_slice %arg5[%run_scoped3A_17, %dma_wait3A] : memref<8x1024xf32, #tpu.memory_space<vmem>> -> memref<1x1024xf32, #tpu.memory_space<vmem>>
      %dma_wait3A_84 = tpu.memref_squeeze %dma_wait3A_83 : memref<1x1024xf32, #tpu.memory_space<vmem>> -> memref<1024xf32, #tpu.memory_space<vmem>>
      %dma_wait3A_85 = tpu.memref_slice %arg2[%run_scoped3A_16, %mul3A_2] : memref<8x32768xf32, #tpu.memory_space<hbm>> -> memref<1x1024xf32, #tpu.memory_space<hbm>>
      %dma_wait3A_86 = tpu.memref_squeeze %dma_wait3A_85 : memref<1x1024xf32, #tpu.memory_space<hbm>> -> memref<1024xf32, #tpu.memory_space<hbm>>
      %dma_wait3A_87 = arith.constant 0 : i32
      %dma_wait3A_88 = tpu.memref_slice %arg5[%run_scoped3A_17, %dma_wait3A_87] : memref<8x1024xf32, #tpu.memory_space<vmem>> -> memref<1x1024xf32, #tpu.memory_space<vmem>>
      %dma_wait3A_89 = tpu.memref_squeeze %dma_wait3A_88 : memref<1x1024xf32, #tpu.memory_space<vmem>> -> memref<1024xf32, #tpu.memory_space<vmem>>
      %dma_wait3A_90 = tpu.memref_slice %arg2[%run_scoped3A_16, %mul3A_2] : memref<8x32768xf32, #tpu.memory_space<hbm>> -> memref<1x1024xf32, #tpu.memory_space<hbm>>
      %dma_wait3A_91 = tpu.memref_squeeze %dma_wait3A_90 : memref<1x1024xf32, #tpu.memory_space<hbm>> -> memref<1024xf32, #tpu.memory_space<hbm>>
      tpu.wait_dma2 semaphore(%run_scoped3A_73 : memref<!tpu.dma_semaphore, #tpu.memory_space<semaphore_mem>>) src(%dma_wait3A_91 : memref<1024xf32, #tpu.memory_space<hbm>>) dst(%dma_wait3A_89 : memref<1024xf32, #tpu.memory_space<vmem>>)
      tpu.yield
    }) : () -> ()
    %iota3A = tpu.iota {dimensions = array<i32: 0>} : vector<16xi32>
    %jit3A = arith.constant 2 : i32
    %div3A = vector.broadcast %jit3A : i32 to vector<16xi32>
    %div3A_18 = arith.divsi %iota3A, %div3A : vector<16xi32>
    %sign3A = arith.constant 0 : i32
    %sign3A_19 = vector.broadcast %sign3A : i32 to vector<16xi32>
    %sign3A_20 = arith.cmpi sgt, %iota3A, %sign3A_19 : vector<16xi32>
    %sign3A_21 = arith.extui %sign3A_20 : vector<16xi1> to vector<16xi32>
    %sign3A_22 = arith.constant 0 : i32
    %sign3A_23 = vector.broadcast %sign3A_22 : i32 to vector<16xi32>
    %sign3A_24 = arith.cmpi slt, %iota3A, %sign3A_23 : vector<16xi32>
    %sign3A_25 = arith.extui %sign3A_24 : vector<16xi1> to vector<16xi32>
    %sign3A_26 = arith.subi %sign3A_21, %sign3A_25 : vector<16xi32>
    %sign3A_27 = arith.constant 0 : i32
    %sign3A_28 = arith.cmpi sgt, %jit3A, %sign3A_27 : i32
    %sign3A_29 = arith.extui %sign3A_28 : i1 to i32
    %sign3A_30 = arith.constant 0 : i32
    %sign3A_31 = arith.cmpi slt, %jit3A, %sign3A_30 : i32
    %sign3A_32 = arith.extui %sign3A_31 : i1 to i32
    %sign3A_33 = arith.subi %sign3A_29, %sign3A_32 : i32
    %ne3A = vector.broadcast %sign3A_33 : i32 to vector<16xi32>
    %ne3A_34 = arith.cmpi ne, %sign3A_26, %ne3A : vector<16xi32>
    %rem3A = vector.broadcast %jit3A : i32 to vector<16xi32>
    %rem3A_35 = arith.remsi %iota3A, %rem3A : vector<16xi32>
    %ne3A_36 = arith.constant 0 : i32
    %ne3A_37 = vector.broadcast %ne3A_36 : i32 to vector<16xi32>
    %ne3A_38 = arith.cmpi ne, %rem3A_35, %ne3A_37 : vector<16xi32>
    %and3A = arith.andi %ne3A_34, %ne3A_38 : vector<16xi1>
    %sub3A = arith.constant 1 : i32
    %sub3A_39 = vector.broadcast %sub3A : i32 to vector<16xi32>
    %sub3A_40 = arith.subi %div3A_18, %sub3A_39 : vector<16xi32>
    %select_n3A = arith.select %and3A, %sub3A_40, %div3A_18 : vector<16xi1>, vector<16xi32>
    %jit3A_41 = arith.constant 2 : i32
    %eq3A = arith.constant 0 : i32
    %eq3A_42 = arith.cmpi eq, %jit3A_41, %eq3A : i32
    %jit3A_43 = arith.constant 1 : i32
    %select_n3A_44 = arith.select %eq3A_42, %jit3A_43, %jit3A_41 : i32
    %rem3A_45 = vector.broadcast %select_n3A_44 : i32 to vector<16xi32>
    %rem3A_46 = arith.remsi %iota3A, %rem3A_45 : vector<16xi32>
    %ne3A_47 = arith.constant 0 : i32
    %ne3A_48 = vector.broadcast %ne3A_47 : i32 to vector<16xi32>
    %ne3A_49 = arith.cmpi ne, %rem3A_46, %ne3A_48 : vector<16xi32>
    %lt3A = arith.constant 0 : i32
    %lt3A_50 = vector.broadcast %lt3A : i32 to vector<16xi32>
    %lt3A_51 = arith.cmpi slt, %rem3A_46, %lt3A_50 : vector<16xi32>
    %lt3A_52 = arith.constant 0 : i32
    %lt3A_53 = arith.cmpi slt, %select_n3A_44, %lt3A_52 : i32
    %ne3A_54 = vector.broadcast %lt3A_53 : i1 to vector<16xi1>
    %ne3A_55 = vector.broadcast %ne3A_54 : vector<16xi1> to vector<16xi1>
    %ne3A_56 = arith.xori %lt3A_51, %ne3A_55 : vector<16xi1>
    %and3A_57 = arith.andi %ne3A_56, %ne3A_49 : vector<16xi1>
    %add3A_58 = vector.broadcast %select_n3A_44 : i32 to vector<16xi32>
    %add3A_59 = arith.addi %rem3A_46, %add3A_58 : vector<16xi32>
    %select_n3A_60 = arith.select %and3A_57, %add3A_59, %rem3A_46 : vector<16xi1>, vector<16xi32>
    %eq3A_61 = arith.constant 0 : i32
    %eq3A_62 = vector.broadcast %eq3A_61 : i32 to vector<16xi32>
    %eq3A_63 = arith.cmpi eq, %select_n3A_60, %eq3A_62 : vector<16xi32>
    %scan3A = arith.constant 0 : i32
    %scan3A_64 = arith.constant 0 : i32
    %scan3A_65 = arith.constant 64 : i32
    %scan3A_66 = arith.addi %scan3A_64, %scan3A_65 : i32
    %scan3A_67 = arith.constant 1 : i32
    scf.for %scan3A_73 = %scan3A_64 to %scan3A_66 step %scan3A_67  : i32 {
      %mul3A_74 = arith.constant 16 : i32
      %mul3A_75 = arith.muli %scan3A_73, %mul3A_74 : i32
      %get3A = arith.constant 0 : i32
      %get3A_76 = arith.index_cast %get3A : i32 to index
      %get3A_77 = arith.index_cast %mul3A_75 : i32 to index
      %get3A_78 = tpu.vector_load %arg5[%get3A_76, %get3A_77] {strides = array<i32>} : memref<8x1024xf32, #tpu.memory_space<vmem>>, vector<1x16xf32>,
      %get3A_79 = vector.shape_cast %get3A_78 : vector<1x16xf32> to vector<16xf32>
      %get3A_80 = arith.constant 1 : i32
      %get3A_81 = arith.index_cast %get3A_80 : i32 to index
      %get3A_82 = arith.index_cast %mul3A_75 : i32 to index
      %get3A_83 = tpu.vector_load %arg5[%get3A_81, %get3A_82] {strides = array<i32>} : memref<8x1024xf32, #tpu.memory_space<vmem>>, vector<1x16xf32>,
      %get3A_84 = vector.shape_cast %get3A_83 : vector<1x16xf32> to vector<16xf32>
      %get3A_85 = arith.constant 2 : i32
      %get3A_86 = arith.index_cast %get3A_85 : i32 to index
      %get3A_87 = arith.index_cast %mul3A_75 : i32 to index
      %get3A_88 = tpu.vector_load %arg5[%get3A_86, %get3A_87] {strides = array<i32>} : memref<8x1024xf32, #tpu.memory_space<vmem>>, vector<1x16xf32>,
      %get3A_89 = vector.shape_cast %get3A_88 : vector<1x16xf32> to vector<16xf32>
      %get3A_90 = arith.constant 3 : i32
      %get3A_91 = arith.index_cast %get3A_90 : i32 to index
      %get3A_92 = arith.index_cast %mul3A_75 : i32 to index
      %get3A_93 = tpu.vector_load %arg5[%get3A_91, %get3A_92] {strides = array<i32>} : memref<8x1024xf32, #tpu.memory_space<vmem>>, vector<1x16xf32>,
      %get3A_94 = vector.shape_cast %get3A_93 : vector<1x16xf32> to vector<16xf32>
      %get3A_95 = arith.constant 4 : i32
      %get3A_96 = arith.index_cast %get3A_95 : i32 to index
      %get3A_97 = arith.index_cast %mul3A_75 : i32 to index
      %get3A_98 = tpu.vector_load %arg5[%get3A_96, %get3A_97] {strides = array<i32>} : memref<8x1024xf32, #tpu.memory_space<vmem>>, vector<1x16xf32>,
      %get3A_99 = vector.shape_cast %get3A_98 : vector<1x16xf32> to vector<16xf32>
      %get3A_100 = arith.constant 5 : i32
      %get3A_101 = arith.index_cast %get3A_100 : i32 to index
      %get3A_102 = arith.index_cast %mul3A_75 : i32 to index
      %get3A_103 = tpu.vector_load %arg5[%get3A_101, %get3A_102] {strides = array<i32>} : memref<8x1024xf32, #tpu.memory_space<vmem>>, vector<1x16xf32>,
      %get3A_104 = vector.shape_cast %get3A_103 : vector<1x16xf32> to vector<16xf32>
      %get3A_105 = arith.constant 6 : i32
      %get3A_106 = arith.index_cast %get3A_105 : i32 to index
      %get3A_107 = arith.index_cast %mul3A_75 : i32 to index
      %get3A_108 = tpu.vector_load %arg5[%get3A_106, %get3A_107] {strides = array<i32>} : memref<8x1024xf32, #tpu.memory_space<vmem>>, vector<1x16xf32>,
      %get3A_109 = vector.shape_cast %get3A_108 : vector<1x16xf32> to vector<16xf32>
      %get3A_110 = arith.constant 7 : i32
      %get3A_111 = arith.index_cast %get3A_110 : i32 to index
      %get3A_112 = arith.index_cast %mul3A_75 : i32 to index
      %get3A_113 = tpu.vector_load %arg5[%get3A_111, %get3A_112] {strides = array<i32>} : memref<8x1024xf32, #tpu.memory_space<vmem>>, vector<1x16xf32>,
      %get3A_114 = vector.shape_cast %get3A_113 : vector<1x16xf32> to vector<16xf32>
      %max3A = arith.maximumf %get3A_79, %get3A_84 : vector<16xf32>
      %max3A_115 = arith.maximumf %max3A, %get3A_89 : vector<16xf32>
      %max3A_116 = arith.maximumf %max3A_115, %get3A_94 : vector<16xf32>
      %max3A_117 = arith.maximumf %max3A_116, %get3A_99 : vector<16xf32>
      %max3A_118 = arith.maximumf %max3A_117, %get3A_104 : vector<16xf32>
      %max3A_119 = arith.maximumf %max3A_118, %get3A_109 : vector<16xf32>
      %max3A_120 = arith.maximumf %max3A_119, %get3A_114 : vector<16xf32>
      %broadcast_in_dim3A = arith.constant 0 : i32
      %broadcast_in_dim3A_121 = vector.broadcast %broadcast_in_dim3A : i32 to vector<16xi32>
      %eq3A_122 = arith.cmpf oeq, %get3A_114, %max3A_120 : vector<16xf32>
      %jit3A_123 = arith.constant 7 : i32
      %broadcast_in_dim3A_124 = vector.broadcast %jit3A_123 : i32 to vector<16xi32>
      %select_n3A_125 = arith.select %eq3A_122, %broadcast_in_dim3A_124, %broadcast_in_dim3A_121 : vector<16xi1>, vector<16xi32>
      %eq3A_126 = arith.cmpf oeq, %get3A_109, %max3A_120 : vector<16xf32>
      %jit3A_127 = arith.constant 6 : i32
      %broadcast_in_dim3A_128 = vector.broadcast %jit3A_127 : i32 to vector<16xi32>
      %select_n3A_129 = arith.select %eq3A_126, %broadcast_in_dim3A_128, %select_n3A_125 : vector<16xi1>, vector<16xi32>
      %eq3A_130 = arith.cmpf oeq, %get3A_104, %max3A_120 : vector<16xf32>
      %jit3A_131 = arith.constant 5 : i32
      %broadcast_in_dim3A_132 = vector.broadcast %jit3A_131 : i32 to vector<16xi32>
      %select_n3A_133 = arith.select %eq3A_130, %broadcast_in_dim3A_132, %select_n3A_129 : vector<16xi1>, vector<16xi32>
      %eq3A_134 = arith.cmpf oeq, %get3A_99, %max3A_120 : vector<16xf32>
      %jit3A_135 = arith.constant 4 : i32
      %broadcast_in_dim3A_136 = vector.broadcast %jit3A_135 : i32 to vector<16xi32>
      %select_n3A_137 = arith.select %eq3A_134, %broadcast_in_dim3A_136, %select_n3A_133 : vector<16xi1>, vector<16xi32>
      %eq3A_138 = arith.cmpf oeq, %get3A_94, %max3A_120 : vector<16xf32>
      %jit3A_139 = arith.constant 3 : i32
      %broadcast_in_dim3A_140 = vector.broadcast %jit3A_139 : i32 to vector<16xi32>
      %select_n3A_141 = arith.select %eq3A_138, %broadcast_in_dim3A_140, %select_n3A_137 : vector<16xi1>, vector<16xi32>
      %eq3A_142 = arith.cmpf oeq, %get3A_89, %max3A_120 : vector<16xf32>
      %jit3A_143 = arith.constant 2 : i32
      %broadcast_in_dim3A_144 = vector.broadcast %jit3A_143 : i32 to vector<16xi32>
      %select_n3A_145 = arith.select %eq3A_142, %broadcast_in_dim3A_144, %select_n3A_141 : vector<16xi1>, vector<16xi32>
      %eq3A_146 = arith.cmpf oeq, %get3A_84, %max3A_120 : vector<16xf32>
      %jit3A_147 = arith.constant 1 : i32
      %broadcast_in_dim3A_148 = vector.broadcast %jit3A_147 : i32 to vector<16xi32>
      %select_n3A_149 = arith.select %eq3A_146, %broadcast_in_dim3A_148, %select_n3A_145 : vector<16xi1>, vector<16xi32>
      %eq3A_150 = arith.cmpf oeq, %get3A_79, %max3A_120 : vector<16xf32>
      %jit3A_151 = arith.constant 0 : i32
      %broadcast_in_dim3A_152 = vector.broadcast %jit3A_151 : i32 to vector<16xi32>
      %select_n3A_153 = arith.select %eq3A_150, %broadcast_in_dim3A_152, %select_n3A_149 : vector<16xi1>, vector<16xi32>
      %eq3A_154 = arith.constant 0 : i32
      %eq3A_155 = vector.broadcast %eq3A_154 : i32 to vector<16xi32>
      %eq3A_156 = arith.cmpi eq, %select_n3A_153, %eq3A_155 : vector<16xi32>
      %jit3A_157 = arith.constant 0xFF800000 : f32
      %broadcast_in_dim3A_158 = vector.broadcast %jit3A_157 : f32 to vector<16xf32>
      %select_n3A_159 = arith.select %eq3A_156, %broadcast_in_dim3A_158, %get3A_79 : vector<16xi1>, vector<16xf32>
      %eq3A_160 = arith.constant 1 : i32
      %eq3A_161 = vector.broadcast %eq3A_160 : i32 to vector<16xi32>
      %eq3A_162 = arith.cmpi eq, %select_n3A_153, %eq3A_161 : vector<16xi32>
      %jit3A_163 = arith.constant 0xFF800000 : f32
      %broadcast_in_dim3A_164 = vector.broadcast %jit3A_163 : f32 to vector<16xf32>
      %select_n3A_165 = arith.select %eq3A_162, %broadcast_in_dim3A_164, %get3A_84 : vector<16xi1>, vector<16xf32>
      %eq3A_166 = arith.constant 2 : i32
      %eq3A_167 = vector.broadcast %eq3A_166 : i32 to vector<16xi32>
      %eq3A_168 = arith.cmpi eq, %select_n3A_153, %eq3A_167 : vector<16xi32>
      %jit3A_169 = arith.constant 0xFF800000 : f32
      %broadcast_in_dim3A_170 = vector.broadcast %jit3A_169 : f32 to vector<16xf32>
      %select_n3A_171 = arith.select %eq3A_168, %broadcast_in_dim3A_170, %get3A_89 : vector<16xi1>, vector<16xf32>
      %eq3A_172 = arith.constant 3 : i32
      %eq3A_173 = vector.broadcast %eq3A_172 : i32 to vector<16xi32>
      %eq3A_174 = arith.cmpi eq, %select_n3A_153, %eq3A_173 : vector<16xi32>
      %jit3A_175 = arith.constant 0xFF800000 : f32
      %broadcast_in_dim3A_176 = vector.broadcast %jit3A_175 : f32 to vector<16xf32>
      %select_n3A_177 = arith.select %eq3A_174, %broadcast_in_dim3A_176, %get3A_94 : vector<16xi1>, vector<16xf32>
      %eq3A_178 = arith.constant 4 : i32
      %eq3A_179 = vector.broadcast %eq3A_178 : i32 to vector<16xi32>
      %eq3A_180 = arith.cmpi eq, %select_n3A_153, %eq3A_179 : vector<16xi32>
      %jit3A_181 = arith.constant 0xFF800000 : f32
      %broadcast_in_dim3A_182 = vector.broadcast %jit3A_181 : f32 to vector<16xf32>
      %select_n3A_183 = arith.select %eq3A_180, %broadcast_in_dim3A_182, %get3A_99 : vector<16xi1>, vector<16xf32>
      %eq3A_184 = arith.constant 5 : i32
      %eq3A_185 = vector.broadcast %eq3A_184 : i32 to vector<16xi32>
      %eq3A_186 = arith.cmpi eq, %select_n3A_153, %eq3A_185 : vector<16xi32>
      %jit3A_187 = arith.constant 0xFF800000 : f32
      %broadcast_in_dim3A_188 = vector.broadcast %jit3A_187 : f32 to vector<16xf32>
      %select_n3A_189 = arith.select %eq3A_186, %broadcast_in_dim3A_188, %get3A_104 : vector<16xi1>, vector<16xf32>
      %eq3A_190 = arith.constant 6 : i32
      %eq3A_191 = vector.broadcast %eq3A_190 : i32 to vector<16xi32>
      %eq3A_192 = arith.cmpi eq, %select_n3A_153, %eq3A_191 : vector<16xi32>
      %jit3A_193 = arith.constant 0xFF800000 : f32
      %broadcast_in_dim3A_194 = vector.broadcast %jit3A_193 : f32 to vector<16xf32>
      %select_n3A_195 = arith.select %eq3A_192, %broadcast_in_dim3A_194, %get3A_109 : vector<16xi1>, vector<16xf32>
      %eq3A_196 = arith.constant 7 : i32
      %eq3A_197 = vector.broadcast %eq3A_196 : i32 to vector<16xi32>
      %eq3A_198 = arith.cmpi eq, %select_n3A_153, %eq3A_197 : vector<16xi32>
      %jit3A_199 = arith.constant 0xFF800000 : f32
      %broadcast_in_dim3A_200 = vector.broadcast %jit3A_199 : f32 to vector<16xf32>
      %select_n3A_201 = arith.select %eq3A_198, %broadcast_in_dim3A_200, %get3A_114 : vector<16xi1>, vector<16xf32>
      %max3A_202 = arith.maximumf %select_n3A_159, %select_n3A_165 : vector<16xf32>
      %max3A_203 = arith.maximumf %max3A_202, %select_n3A_171 : vector<16xf32>
      %max3A_204 = arith.maximumf %max3A_203, %select_n3A_177 : vector<16xf32>
      %max3A_205 = arith.maximumf %max3A_204, %select_n3A_183 : vector<16xf32>
      %max3A_206 = arith.maximumf %max3A_205, %select_n3A_189 : vector<16xf32>
      %max3A_207 = arith.maximumf %max3A_206, %select_n3A_195 : vector<16xf32>
      %max3A_208 = arith.maximumf %max3A_207, %select_n3A_201 : vector<16xf32>
      %broadcast_in_dim3A_209 = arith.constant 0 : i32
      %broadcast_in_dim3A_210 = vector.broadcast %broadcast_in_dim3A_209 : i32 to vector<16xi32>
      %eq3A_211 = arith.cmpf oeq, %select_n3A_201, %max3A_208 : vector<16xf32>
      %jit3A_212 = arith.constant 7 : i32
      %broadcast_in_dim3A_213 = vector.broadcast %jit3A_212 : i32 to vector<16xi32>
      %select_n3A_214 = arith.select %eq3A_211, %broadcast_in_dim3A_213, %broadcast_in_dim3A_210 : vector<16xi1>, vector<16xi32>
      %eq3A_215 = arith.cmpf oeq, %select_n3A_195, %max3A_208 : vector<16xf32>
      %jit3A_216 = arith.constant 6 : i32
      %broadcast_in_dim3A_217 = vector.broadcast %jit3A_216 : i32 to vector<16xi32>
      %select_n3A_218 = arith.select %eq3A_215, %broadcast_in_dim3A_217, %select_n3A_214 : vector<16xi1>, vector<16xi32>
      %eq3A_219 = arith.cmpf oeq, %select_n3A_189, %max3A_208 : vector<16xf32>
      %jit3A_220 = arith.constant 5 : i32
      %broadcast_in_dim3A_221 = vector.broadcast %jit3A_220 : i32 to vector<16xi32>
      %select_n3A_222 = arith.select %eq3A_219, %broadcast_in_dim3A_221, %select_n3A_218 : vector<16xi1>, vector<16xi32>
      %eq3A_223 = arith.cmpf oeq, %select_n3A_183, %max3A_208 : vector<16xf32>
      %jit3A_224 = arith.constant 4 : i32
      %broadcast_in_dim3A_225 = vector.broadcast %jit3A_224 : i32 to vector<16xi32>
      %select_n3A_226 = arith.select %eq3A_223, %broadcast_in_dim3A_225, %select_n3A_222 : vector<16xi1>, vector<16xi32>
      %eq3A_227 = arith.cmpf oeq, %select_n3A_177, %max3A_208 : vector<16xf32>
      %jit3A_228 = arith.constant 3 : i32
      %broadcast_in_dim3A_229 = vector.broadcast %jit3A_228 : i32 to vector<16xi32>
      %select_n3A_230 = arith.select %eq3A_227, %broadcast_in_dim3A_229, %select_n3A_226 : vector<16xi1>, vector<16xi32>
      %eq3A_231 = arith.cmpf oeq, %select_n3A_171, %max3A_208 : vector<16xf32>
      %jit3A_232 = arith.constant 2 : i32
      %broadcast_in_dim3A_233 = vector.broadcast %jit3A_232 : i32 to vector<16xi32>
      %select_n3A_234 = arith.select %eq3A_231, %broadcast_in_dim3A_233, %select_n3A_230 : vector<16xi1>, vector<16xi32>
      %eq3A_235 = arith.cmpf oeq, %select_n3A_165, %max3A_208 : vector<16xf32>
      %jit3A_236 = arith.constant 1 : i32
      %broadcast_in_dim3A_237 = vector.broadcast %jit3A_236 : i32 to vector<16xi32>
      %select_n3A_238 = arith.select %eq3A_235, %broadcast_in_dim3A_237, %select_n3A_234 : vector<16xi1>, vector<16xi32>
      %eq3A_239 = arith.cmpf oeq, %select_n3A_159, %max3A_208 : vector<16xf32>
      %jit3A_240 = arith.constant 0 : i32
      %broadcast_in_dim3A_241 = vector.broadcast %jit3A_240 : i32 to vector<16xi32>
      %select_n3A_242 = arith.select %eq3A_239, %broadcast_in_dim3A_241, %select_n3A_238 : vector<16xi1>, vector<16xi32>
      %sub3A_243 = arith.subf %max3A_208, %max3A_120 : vector<16xf32>
      %mul3A_244 = arith.constant 3.125000e-02 : f32
      %mul3A_245 = vector.broadcast %mul3A_244 : f32 to vector<16xf32>
      %mul3A_246 = arith.mulf %sub3A_243, %mul3A_245 : vector<16xf32>
      %exp3A = math.exp %mul3A_246 : vector<16xf32>
      %add3A_247 = arith.constant 1.000000e+00 : f32
      %add3A_248 = vector.broadcast %add3A_247 : f32 to vector<16xf32>
      %add3A_249 = arith.addf %add3A_248, %exp3A : vector<16xf32>
      %div3A_250 = arith.constant 1.000000e+00 : f32
      %div3A_251 = vector.broadcast %div3A_250 : f32 to vector<16xf32>
      %div3A_252 = arith.divf %div3A_251, %add3A_249 : vector<16xf32>
      %div3A_253 = arith.divf %exp3A, %add3A_249 : vector<16xf32>
      %swap3A = arith.index_cast %mul3A_75 : i32 to index
      %swap3A_254 = tpu.vector_load %arg6[%swap3A] {strides = array<i32>} : memref<2048xi32, #tpu.memory_space<vmem>>, vector<16xi32>,
      %swap3A_255 = vector.shape_cast %swap3A_254 : vector<16xi32> to vector<16xi32>
      %swap3A_256 = vector.shape_cast %select_n3A_153 : vector<16xi32> to vector<16xi32>
      tpu.vector_store %arg6[%swap3A], %swap3A_256 {strides = array<i32>} : memref<2048xi32, #tpu.memory_space<vmem>>, vector<16xi32>,
      %add3A_257 = arith.constant 1024 : i32
      %add3A_258 = arith.addi %add3A_257, %mul3A_75 : i32
      %swap3A_259 = arith.index_cast %add3A_258 : i32 to index
      %swap3A_260 = tpu.vector_load %arg6[%swap3A_259] {strides = array<i32>} : memref<2048xi32, #tpu.memory_space<vmem>>, vector<16xi32>,
      %swap3A_261 = vector.shape_cast %swap3A_260 : vector<16xi32> to vector<16xi32>
      %swap3A_262 = vector.shape_cast %select_n3A_242 : vector<16xi32> to vector<16xi32>
      tpu.vector_store %arg6[%swap3A_259], %swap3A_262 {strides = array<i32>} : memref<2048xi32, #tpu.memory_space<vmem>>, vector<16xi32>,
      %swap3A_263 = arith.index_cast %mul3A_75 : i32 to index
      %swap3A_264 = tpu.vector_load %arg7[%swap3A_263] {strides = array<i32>} : memref<2048xf32, #tpu.memory_space<vmem>>, vector<16xf32>,
      %swap3A_265 = vector.shape_cast %swap3A_264 : vector<16xf32> to vector<16xf32>
      %swap3A_266 = vector.shape_cast %div3A_252 : vector<16xf32> to vector<16xf32>
      tpu.vector_store %arg7[%swap3A_263], %swap3A_266 {strides = array<i32>} : memref<2048xf32, #tpu.memory_space<vmem>>, vector<16xf32>,
      %add3A_267 = arith.constant 1024 : i32
      %add3A_268 = arith.addi %add3A_267, %mul3A_75 : i32
      %swap3A_269 = arith.index_cast %add3A_268 : i32 to index
      %swap3A_270 = tpu.vector_load %arg7[%swap3A_269] {strides = array<i32>} : memref<2048xf32, #tpu.memory_space<vmem>>, vector<16xf32>,
      %swap3A_271 = vector.shape_cast %swap3A_270 : vector<16xf32> to vector<16xf32>
      %swap3A_272 = vector.shape_cast %div3A_253 : vector<16xf32> to vector<16xf32>
      tpu.vector_store %arg7[%swap3A_269], %swap3A_272 {strides = array<i32>} : memref<2048xf32, #tpu.memory_space<vmem>>, vector<16xf32>,
    }
    %scan3A_68 = arith.constant 64 : i32
    "tpu.region"() ({
      %run_scoped3A_73 = tpu.sem_alloc : memref<!tpu.dma_semaphore, #tpu.memory_space<semaphore_mem>>
      %dma_start3A = arith.constant 0 : i32
      %dma_start3A_74 = tpu.memref_slice %arg6[%dma_start3A] : memref<2048xi32, #tpu.memory_space<vmem>> -> memref<1024xi32, #tpu.memory_space<vmem>>
      %dma_start3A_75 = tpu.memref_slice %arg3[%mul3A_2] : memref<65536xi32, #tpu.memory_space<hbm>> -> memref<1024xi32, #tpu.memory_space<hbm>>
      %dma_start3A_76 = tpu.memref_slice %arg3[%mul3A_2] : memref<65536xi32, #tpu.memory_space<hbm>> -> memref<1024xi32, #tpu.memory_space<hbm>>
      %dma_start3A_77 = arith.constant 0 : i32
      %dma_start3A_78 = tpu.memref_slice %arg6[%dma_start3A_77] : memref<2048xi32, #tpu.memory_space<vmem>> -> memref<1024xi32, #tpu.memory_space<vmem>>
      tpu.enqueue_dma source(%dma_start3A_78 : memref<1024xi32, #tpu.memory_space<vmem>>) target(%dma_start3A_76 : memref<1024xi32, #tpu.memory_space<hbm>>) target_semaphore(%run_scoped3A_73 : memref<!tpu.dma_semaphore, #tpu.memory_space<semaphore_mem>>)
      %dma_wait3A = arith.constant 0 : i32
      %dma_wait3A_79 = tpu.memref_slice %arg6[%dma_wait3A] : memref<2048xi32, #tpu.memory_space<vmem>> -> memref<1024xi32, #tpu.memory_space<vmem>>
      %dma_wait3A_80 = tpu.memref_slice %arg3[%mul3A_2] : memref<65536xi32, #tpu.memory_space<hbm>> -> memref<1024xi32, #tpu.memory_space<hbm>>
      %dma_wait3A_81 = tpu.memref_slice %arg3[%mul3A_2] : memref<65536xi32, #tpu.memory_space<hbm>> -> memref<1024xi32, #tpu.memory_space<hbm>>
      %dma_wait3A_82 = arith.constant 0 : i32
      %dma_wait3A_83 = tpu.memref_slice %arg6[%dma_wait3A_82] : memref<2048xi32, #tpu.memory_space<vmem>> -> memref<1024xi32, #tpu.memory_space<vmem>>
      tpu.wait_dma2 semaphore(%run_scoped3A_73 : memref<!tpu.dma_semaphore, #tpu.memory_space<semaphore_mem>>) src(%dma_wait3A_83 : memref<1024xi32, #tpu.memory_space<vmem>>) dst(%dma_wait3A_81 : memref<1024xi32, #tpu.memory_space<hbm>>)
      tpu.yield
    }) : () -> ()
    %add3A_69 = arith.constant 32768 : i32
    %add3A_70 = arith.addi %add3A_69, %mul3A_2 : i32
    "tpu.region"() ({
      %run_scoped3A_73 = tpu.sem_alloc : memref<!tpu.dma_semaphore, #tpu.memory_space<semaphore_mem>>
      %dma_start3A = arith.constant 1024 : i32
      %dma_start3A_74 = tpu.memref_slice %arg6[%dma_start3A] : memref<2048xi32, #tpu.memory_space<vmem>> -> memref<1024xi32, #tpu.memory_space<vmem>>
      %dma_start3A_75 = tpu.memref_slice %arg3[%add3A_70] : memref<65536xi32, #tpu.memory_space<hbm>> -> memref<1024xi32, #tpu.memory_space<hbm>>
      %dma_start3A_76 = tpu.memref_slice %arg3[%add3A_70] : memref<65536xi32, #tpu.memory_space<hbm>> -> memref<1024xi32, #tpu.memory_space<hbm>>
      %dma_start3A_77 = arith.constant 1024 : i32
      %dma_start3A_78 = tpu.memref_slice %arg6[%dma_start3A_77] : memref<2048xi32, #tpu.memory_space<vmem>> -> memref<1024xi32, #tpu.memory_space<vmem>>
      tpu.enqueue_dma source(%dma_start3A_78 : memref<1024xi32, #tpu.memory_space<vmem>>) target(%dma_start3A_76 : memref<1024xi32, #tpu.memory_space<hbm>>) target_semaphore(%run_scoped3A_73 : memref<!tpu.dma_semaphore, #tpu.memory_space<semaphore_mem>>)
      %dma_wait3A = arith.constant 1024 : i32
      %dma_wait3A_79 = tpu.memref_slice %arg6[%dma_wait3A] : memref<2048xi32, #tpu.memory_space<vmem>> -> memref<1024xi32, #tpu.memory_space<vmem>>
      %dma_wait3A_80 = tpu.memref_slice %arg3[%add3A_70] : memref<65536xi32, #tpu.memory_space<hbm>> -> memref<1024xi32, #tpu.memory_space<hbm>>
      %dma_wait3A_81 = tpu.memref_slice %arg3[%add3A_70] : memref<65536xi32, #tpu.memory_space<hbm>> -> memref<1024xi32, #tpu.memory_space<hbm>>
      %dma_wait3A_82 = arith.constant 1024 : i32
      %dma_wait3A_83 = tpu.memref_slice %arg6[%dma_wait3A_82] : memref<2048xi32, #tpu.memory_space<vmem>> -> memref<1024xi32, #tpu.memory_space<vmem>>
      tpu.wait_dma2 semaphore(%run_scoped3A_73 : memref<!tpu.dma_semaphore, #tpu.memory_space<semaphore_mem>>) src(%dma_wait3A_83 : memref<1024xi32, #tpu.memory_space<vmem>>) dst(%dma_wait3A_81 : memref<1024xi32, #tpu.memory_space<hbm>>)
      tpu.yield
    }) : () -> ()
    "tpu.region"() ({
      %run_scoped3A_73 = tpu.sem_alloc : memref<!tpu.dma_semaphore, #tpu.memory_space<semaphore_mem>>
      %dma_start3A = arith.constant 0 : i32
      %dma_start3A_74 = tpu.memref_slice %arg7[%dma_start3A] : memref<2048xf32, #tpu.memory_space<vmem>> -> memref<1024xf32, #tpu.memory_space<vmem>>
      %dma_start3A_75 = tpu.memref_slice %arg4[%mul3A_2] : memref<65536xf32, #tpu.memory_space<hbm>> -> memref<1024xf32, #tpu.memory_space<hbm>>
      %dma_start3A_76 = tpu.memref_slice %arg4[%mul3A_2] : memref<65536xf32, #tpu.memory_space<hbm>> -> memref<1024xf32, #tpu.memory_space<hbm>>
      %dma_start3A_77 = arith.constant 0 : i32
      %dma_start3A_78 = tpu.memref_slice %arg7[%dma_start3A_77] : memref<2048xf32, #tpu.memory_space<vmem>> -> memref<1024xf32, #tpu.memory_space<vmem>>
      tpu.enqueue_dma source(%dma_start3A_78 : memref<1024xf32, #tpu.memory_space<vmem>>) target(%dma_start3A_76 : memref<1024xf32, #tpu.memory_space<hbm>>) target_semaphore(%run_scoped3A_73 : memref<!tpu.dma_semaphore, #tpu.memory_space<semaphore_mem>>)
      %dma_wait3A = arith.constant 0 : i32
      %dma_wait3A_79 = tpu.memref_slice %arg7[%dma_wait3A] : memref<2048xf32, #tpu.memory_space<vmem>> -> memref<1024xf32, #tpu.memory_space<vmem>>
      %dma_wait3A_80 = tpu.memref_slice %arg4[%mul3A_2] : memref<65536xf32, #tpu.memory_space<hbm>> -> memref<1024xf32, #tpu.memory_space<hbm>>
      %dma_wait3A_81 = tpu.memref_slice %arg4[%mul3A_2] : memref<65536xf32, #tpu.memory_space<hbm>> -> memref<1024xf32, #tpu.memory_space<hbm>>
      %dma_wait3A_82 = arith.constant 0 : i32
      %dma_wait3A_83 = tpu.memref_slice %arg7[%dma_wait3A_82] : memref<2048xf32, #tpu.memory_space<vmem>> -> memref<1024xf32, #tpu.memory_space<vmem>>
      tpu.wait_dma2 semaphore(%run_scoped3A_73 : memref<!tpu.dma_semaphore, #tpu.memory_space<semaphore_mem>>) src(%dma_wait3A_83 : memref<1024xf32, #tpu.memory_space<vmem>>) dst(%dma_wait3A_81 : memref<1024xf32, #tpu.memory_space<hbm>>)
      tpu.yield
    }) : () -> ()
    %add3A_71 = arith.constant 32768 : i32
    %add3A_72 = arith.addi %add3A_71, %mul3A_2 : i32
    "tpu.region"() ({
      %run_scoped3A_73 = tpu.sem_alloc : memref<!tpu.dma_semaphore, #tpu.memory_space<semaphore_mem>>
      %dma_start3A = arith.constant 1024 : i32
      %dma_start3A_74 = tpu.memref_slice %arg7[%dma_start3A] : memref<2048xf32, #tpu.memory_space<vmem>> -> memref<1024xf32, #tpu.memory_space<vmem>>
      %dma_start3A_75 = tpu.memref_slice %arg4[%add3A_72] : memref<65536xf32, #tpu.memory_space<hbm>> -> memref<1024xf32, #tpu.memory_space<hbm>>
      %dma_start3A_76 = tpu.memref_slice %arg4[%add3A_72] : memref<65536xf32, #tpu.memory_space<hbm>> -> memref<1024xf32, #tpu.memory_space<hbm>>
      %dma_start3A_77 = arith.constant 1024 : i32
      %dma_start3A_78 = tpu.memref_slice %arg7[%dma_start3A_77] : memref<2048xf32, #tpu.memory_space<vmem>> -> memref<1024xf32, #tpu.memory_space<vmem>>
      tpu.enqueue_dma source(%dma_start3A_78 : memref<1024xf32, #tpu.memory_space<vmem>>) target(%dma_start3A_76 : memref<1024xf32, #tpu.memory_space<hbm>>) target_semaphore(%run_scoped3A_73 : memref<!tpu.dma_semaphore, #tpu.memory_space<semaphore_mem>>)
      %dma_wait3A = arith.constant 1024 : i32
      %dma_wait3A_79 = tpu.memref_slice %arg7[%dma_wait3A] : memref<2048xf32, #tpu.memory_space<vmem>> -> memref<1024xf32, #tpu.memory_space<vmem>>
      %dma_wait3A_80 = tpu.memref_slice %arg4[%add3A_72] : memref<65536xf32, #tpu.memory_space<hbm>> -> memref<1024xf32, #tpu.memory_space<hbm>>
      %dma_wait3A_81 = tpu.memref_slice %arg4[%add3A_72] : memref<65536xf32, #tpu.memory_space<hbm>> -> memref<1024xf32, #tpu.memory_space<hbm>>
      %dma_wait3A_82 = arith.constant 1024 : i32
      %dma_wait3A_83 = tpu.memref_slice %arg7[%dma_wait3A_82] : memref<2048xf32, #tpu.memory_space<vmem>> -> memref<1024xf32, #tpu.memory_space<vmem>>
      tpu.wait_dma2 semaphore(%run_scoped3A_73 : memref<!tpu.dma_semaphore, #tpu.memory_space<semaphore_mem>>) src(%dma_wait3A_83 : memref<1024xf32, #tpu.memory_space<vmem>>) dst(%dma_wait3A_81 : memref<1024xf32, #tpu.memory_space<hbm>>)
      tpu.yield
    }) : () -> ()
    return
  }
}

module attributes {stable_mosaic.version = 14 : i64} {
  func.func @_sim_block(%arg0: i32, %arg1: memref<2048x1024xf32, #tpu.memory_space<vmem>>, %arg2: memref<8x1024xf32, #tpu.memory_space<vmem>>, %arg3: memref<8x2048xf32, #tpu.memory_space<vmem>>) attributes {dimension_semantics = [#tpu.dimension_semantics<arbitrary>], iteration_bounds = array<i64: 16>, scalar_prefetch = 0 : i64, scratch_operands = 0 : i64, tpu.core_type = #tpu.core_type<tc>, window_params = [{transform_indices = @transform_0, window_bounds = array<i64: 2048, 1024>}, {pipeline_mode = #tpu.pipeline_mode<synchronous>, transform_indices = @transform_1, window_bounds = array<i64: 8, 1024>}, {transform_indices = @transform_2, window_bounds = array<i64: 8, 2048>}]} {
    %get3A = arith.constant 0 : index
    %get3A_0 = arith.constant 0 : index
    %get3A_1 = vector.load %arg1[%get3A, %get3A_0] : memref<2048x1024xf32, #tpu.memory_space<vmem>>, vector<2048x1024xf32>
    %get3A_2 = arith.constant 0 : index
    %get3A_3 = arith.constant 0 : index
    %get3A_4 = vector.load %arg2[%get3A_2, %get3A_3] : memref<8x1024xf32, #tpu.memory_space<vmem>>, vector<8x1024xf32>
    %reduce_sum3A = arith.constant dense<0.000000e+00> : vector<2048xf32>
    %reduce_sum3A_5 = vector.multi_reduction <add>, %get3A_1, %reduce_sum3A [1] : vector<2048x1024xf32> to vector<2048xf32>
    %broadcast_in_dim3A = vector.shape_cast %reduce_sum3A_5 : vector<2048xf32> to vector<2048x1xf32>
    %div3A = arith.constant 1.024000e+03 : f32
    %div3A_6 = vector.broadcast %div3A : f32 to vector<2048x1xf32>
    %div3A_7 = arith.divf %broadcast_in_dim3A, %div3A_6 : vector<2048x1xf32>
    %mul3A = arith.mulf %get3A_1, %get3A_1 : vector<2048x1024xf32>
    %reduce_sum3A_8 = arith.constant dense<0.000000e+00> : vector<2048xf32>
    %reduce_sum3A_9 = vector.multi_reduction <add>, %mul3A, %reduce_sum3A_8 [1] : vector<2048x1024xf32> to vector<2048xf32>
    %broadcast_in_dim3A_10 = vector.shape_cast %reduce_sum3A_9 : vector<2048xf32> to vector<2048x1xf32>
    %div3A_11 = arith.constant 1.024000e+03 : f32
    %div3A_12 = vector.broadcast %div3A_11 : f32 to vector<2048x1xf32>
    %div3A_13 = arith.divf %broadcast_in_dim3A_10, %div3A_12 : vector<2048x1xf32>
    %mul3A_14 = arith.mulf %div3A_7, %div3A_7 : vector<2048x1xf32>
    %sub3A = arith.subf %div3A_13, %mul3A_14 : vector<2048x1xf32>
    %sub3A_15 = vector.broadcast %div3A_7 : vector<2048x1xf32> to vector<2048x1024xf32>
    %sub3A_16 = arith.subf %get3A_1, %sub3A_15 : vector<2048x1024xf32>
    %add3A = arith.constant 9.99999974E-6 : f32
    %add3A_17 = vector.broadcast %add3A : f32 to vector<2048x1xf32>
    %add3A_18 = arith.addf %sub3A, %add3A_17 : vector<2048x1xf32>
    %rsqrt3A = math.rsqrt %add3A_18 : vector<2048x1xf32>
    %mul3A_19 = vector.broadcast %rsqrt3A : vector<2048x1xf32> to vector<2048x1024xf32>
    %mul3A_20 = arith.mulf %sub3A_16, %mul3A_19 : vector<2048x1024xf32>
    %convert_element_type3A = arith.truncf %mul3A_20 : vector<2048x1024xf32> to vector<2048x1024xbf16>
    %convert_element_type3A_21 = arith.truncf %get3A_4 : vector<8x1024xf32> to vector<8x1024xbf16>
    %dot_general3A = arith.constant dense<0.000000e+00> : vector<8x2048xf32>
    %dot_general3A_22 = tpu.matmul %convert_element_type3A_21, %convert_element_type3A, %dot_general3A {dimension_numbers = #tpu.dot_dimension_numbers<[1], [1], [0], [0], [0, 0, 1, 0], [], []>, transpose_lhs_hint = false} : vector<8x1024xbf16>, vector<2048x1024xbf16>, vector<8x2048xf32> -> vector<8x2048xf32>
    %swap3A = arith.constant 0 : index
    %swap3A_23 = arith.constant 0 : index
    %swap3A_24 = vector.load %arg3[%swap3A, %swap3A_23] : memref<8x2048xf32, #tpu.memory_space<vmem>>, vector<8x2048xf32>
    tpu.vector_store %arg3[%swap3A, %swap3A_23], %dot_general3A_22 {strides = array<i32>} : memref<8x2048xf32, #tpu.memory_space<vmem>>, vector<8x2048xf32>,
    return
  }
  func.func @transform_0(%arg0: i32) -> (i32, i32) {
    %c0_i32 = arith.constant 0 : i32
    %c0_i32_0 = arith.constant 0 : i32
    return %arg0, %c0_i32 : i32, i32
  }
  func.func @transform_1(%arg0: i32) -> (i32, i32) {
    %c0_i32 = arith.constant 0 : i32
    %c0_i32_0 = arith.constant 0 : i32
    %c0_i32_1 = arith.constant 0 : i32
    return %c0_i32, %c0_i32_0 : i32, i32
  }
  func.func @transform_2(%arg0: i32) -> (i32, i32) {
    %c0_i32 = arith.constant 0 : i32
    %c0_i32_0 = arith.constant 0 : i32
    return %c0_i32, %arg0 : i32, i32
  }
}

</mosaic_0001>

<sc_bundles>
// kernel: kernel.4.cloned.1.call-start
scs
__scs_entry_jumppad:
0x0: {  	(pc) =	sbr.rel $0x88, $3  }
0x1: {  	(tag) =	ssettag $0x0;
	lr =	simm.s32 $0x1  }
0x2: {  	[smem:$0x3F9F] =	sst lr;
	_ =	strace $0xD0000000  }
0x3: {  	_ = 	snop  }
0x4: {  	_ = 	snop  }
0x5: {  	_ = 	snop  }
0x6: {  	_ = 	snop  }
0x7: {  	_ = 	snop  }
__scs_overlays_trampoline_lowered:
0x8: {  	[smem:$0x3FAE] =	sst s0  }
0x9: {  	[smem:$0x3FAF] =	sst s1  }
0xa: {  	[smem:$0x3FB0] =	sst s2  }
0xb: {  	[smem:$0x3FB1] =	sst s3  }
0xc: {  	[smem:$0x3FB2] =	sst s4  }
0xd: {  	[smem:$0x3FB3] =	sst s5  }
0xe: {  	[smem:$0x3FB4] =	sst s6  }
0xf: {  	[smem:$0x3FB5] =	sst s7  }
0x10: {  	[smem:$0x3FB6] =	sst s8  }
0x11: {  	[smem:$0x3FB7] =	sst s9;
	s0 =	simm.s32 @!p0 $0x0  }
0x12: {  	s1 =	sld [smem:$0x3F9D];
	s0 =	simm.s32 @p0 $0x1  }
0x13: {  	[smem:$0x3FB8] =	sst s0;
	s0 =	simm.s32 @!p1 $0x0  }
0x14: {  	s2 =	sld [smem:$0x3F9C];
	s0 =	simm.s32 @p1 $0x1  }
0x15: {  	[smem:$0x3FB9] =	sst s0;
	s0 =	simm.s32 @!p2 $0x0  }
0x16: {  	s3 =	sld [smem:$0x3FDB];
	s0 =	simm.s32 @p2 $0x1  }
0x17: {  	s4 =	simm.s32 $0x1BF5;
	[smem:$0x3FBB] =	sst s0  }
0x18: {  	s0 =	sld [smem:$0x3F9E];
	_ =	swait.ge [sflag:s4], $0x0  }
0x19: {  	s7 =	sld [smem:$0x3F9F]  }
0x1a: {  	s8 =	sadd.s32 $0xFFFFE003, lr  }
0x1b: {  	s9 =	sadd.s32 $0xFFFFFEF7, lr;
	s5 =	simm.s32 $0xFFFFFFFF;
	p2 =	slt.u32 s8, $0xFFFFF086  }
0x1c: {  	p1 =	slt.u32 s9, $0xF7A;
	s5 =	simm.s32 @!p2 $0x0  }
0x1d: {  	s5 =	simm.s32 @p1 $0x1;
	p0 =	seq.s32 s7, s2  }
0x1e: {  	s7 =	smul.u32 @!p0 $0xF7A, s2;
	p2 =	seq.s32 @!p0 s5, $0x0  }
0x1f: {  	s9 =	smul.u32 $0xF7A, s1;
	s8 =	simm.s32 @!p0 $0x1BF5;
	p2 =	por !p2, p0  }
0x20: {  	[sflag:s8] =	ssyncset.s32 @!p0 $0xFFFFF086;
	s6 =	sadd.s32 @!p0 s3, s7;
	s7 =	simm.s32 @!p0 $0x108  }
0x21: {  	s3 =	sadd.s32 s3, s9;
	s6 =	sadd.s32 @!p0 $0x88, s6;
	s7 =	simm.s32 @p2 $0x1082  }
0x22: {  	[simem:s7], [sflag:s8] =	dma.local @!p0 [hbm:s6], $0xF7A  }
0x23: {  	s9 =	sor.u32 $0xD0000000, s2;
	s6 =	simm.s32 $0x108;
	_ =	swait.ge @!p0 [sflag:s8], $0x0  }
0x24: {  	s3 =	sadd.s32 $0x88, s3;
	s6 =	simm.s32 @!p1 $0x1082;
	[sflag:s4] =	ssyncset.s32 $0xFFFFF086  }
0x25: {  	[simem:s6], [sflag:s4] =	dma.local [hbm:s3], $0xF7A  }
0x26: {  	[smem:$0x3F9F] =	sst s1;
	(tag) =	ssettag s2;
	_ =	strace s9  }
0x27: {  	s1 =	sld [smem:$0x3FAF]  }
0x28: {  	s2 =	sld [smem:$0x3FB0]  }
0x29: {  	s4 =	sld [smem:$0x3FB2]  }
0x2a: {  	p0 =	seq.s32 s5, $0x0;
	s5 =	sld [smem:$0x3FB3]  }
0x2b: {  	s6 =	sld [smem:$0x3FB4]  }
0x2c: {  	s7 =	sld [smem:$0x3FB5]  }
0x2d: {  	s3 =	simm.s32 $0x108;
	s8 =	sld [smem:$0x3FB6]  }
0x2e: {  	s3 =	simm.s32 @!p0 $0x1082;
	s9 =	sld [smem:$0x3FB7]  }
0x2f: {  	lr =	sadd.s32 s0, s3;
	s0 =	sld [smem:$0x3FAE]  }
0x30: {  	s3 =	sld [smem:$0x3FB1]  }
0x31: {  	[smem:$0x3FBA] =	sst s10  }
0x32: {  	s10 =	sld [smem:$0x3FB8];
	_ =	sdelay $0x3  }
0x33: {  	p0 =	seq.s32 s10, $0x1;
	s10 =	sld [smem:$0x3FBA];
	_ =	sdelay $0x3  }
0x34: {  	[smem:$0x3FBA] =	sst s10  }
0x35: {  	s10 =	sld [smem:$0x3FB9];
	_ =	sdelay $0x3  }
0x36: {  	p1 =	seq.s32 s10, $0x1;
	s10 =	sld [smem:$0x3FBA];
	_ =	sdelay $0x3  }
0x37: {  	[smem:$0x3FBA] =	sst s10  }
0x38: {  	s10 =	sld [smem:$0x3FBB]  }
0x39: {  	_ = 	snop;
	(pc) =	sbr.ind lr, $3  }
0x3a: {  	_ = 	snop  }
0x3b: {  	_ = 	snop  }
0x3c: {  	p2 =	seq.s32 s10, $0x1;
	s10 =	sld [smem:$0x3FBA]  }
0x3d: {  	_ =	shalt  }
0x3e: {  	_ =	shalt  }
0x3f: {  	_ =	shalt  }
0x40: {  	_ =	shalt  }
0x41: {  	_ =	shalt  }
0x42: {  	_ =	shalt  }
0x43: {  	_ =	shalt  }
0x44: {  	_ =	shalt  }
0x45: {  	_ =	shalt  }
0x46: {  	_ =	shalt  }
0x47: {  	_ =	shalt  }
0x48: {  	_ =	shalt  }
0x49: {  	_ =	shalt  }
0x4a: {  	_ =	shalt  }
0x4b: {  	_ =	shalt  }
0x4c: {  	_ =	shalt  }
0x4d: {  	_ =	shalt  }
0x4e: {  	_ =	shalt  }
0x4f: {  	_ =	shalt  }
0x50: {  	_ =	shalt  }
0x51: {  	_ =	shalt  }
0x52: {  	_ =	shalt  }
0x53: {  	_ =	shalt  }
0x54: {  	_ =	shalt  }
0x55: {  	_ =	shalt  }
0x56: {  	_ =	shalt  }
0x57: {  	_ =	shalt  }
0x58: {  	_ =	shalt  }
0x59: {  	_ =	shalt  }
0x5a: {  	_ =	shalt  }
0x5b: {  	_ =	shalt  }
0x5c: {  	_ =	shalt  }
0x5d: {  	_ =	shalt  }
0x5e: {  	_ =	shalt  }
0x5f: {  	_ =	shalt  }
0x60: {  	_ =	shalt  }
0x61: {  	_ =	shalt  }
0x62: {  	_ =	shalt  }
0x63: {  	_ =	shalt  }
0x64: {  	_ =	shalt  }
0x65: {  	_ =	shalt  }
0x66: {  	_ =	shalt  }
0x67: {  	_ =	shalt  }
0x68: {  	_ =	shalt  }
0x69: {  	_ =	shalt  }
0x6a: {  	_ =	shalt  }
0x6b: {  	_ =	shalt  }
0x6c: {  	_ =	shalt  }
0x6d: {  	_ =	shalt  }
0x6e: {  	_ =	shalt  }
0x6f: {  	_ =	shalt  }
0x70: {  	_ =	shalt  }
0x71: {  	_ =	shalt  }
0x72: {  	_ =	shalt  }
0x73: {  	_ =	shalt  }
0x74: {  	_ =	shalt  }
0x75: {  	_ =	shalt  }
0x76: {  	_ =	shalt  }
0x77: {  	_ =	shalt  }
0x78: {  	_ =	shalt  }
0x79: {  	_ =	shalt  }
0x7a: {  	_ =	shalt  }
0x7b: {  	_ =	shalt  }
0x7c: {  	_ =	shalt  }
0x7d: {  	_ =	shalt  }
0x7e: {  	_ =	shalt  }
0x7f: {  	_ =	shalt  }
0x80: {  	_ =	shalt  }
0x81: {  	_ =	shalt  }
0x82: {  	_ =	shalt  }
0x83: {  	_ =	shalt  }
0x84: {  	_ =	shalt  }
0x85: {  	_ =	shalt  }
0x86: {  	_ =	shalt  }
0x87: {  	_ =	shalt  }
.Lfunc_end0:
.L_simem_size_0:
called_computation_lowered:
.L_overlay_start_0:
0x88: {  	s2 =	sld [smem:$0x3FD9]  }
0x89: {  	s3 =	sld [smem:$0x3FFE];
	_ =	sdelay $0x1  }
0x8a: {  	s1 =	srdreg.scid  }
0x8b: {  	s0 =	sand.u32 $0x1, s1  }
0x8c: {  	s14 =	sshll.u32 s0, $0xA;
	s2 =	sadd.s32 s3, s2  }
0x8d: {  	s2 =	sadd.s32 s2, s14  }
0x8e: {  	[smem:$0x3FC6] =	sst s2  }
0x8f: {  	_ = 	snop  }
0x90: {  	s2 =	sld [smem:$0x3FD0];
	_ =	sdelay $0x2  }
0x91: {  	s15 =	simm.s32 $0xA;
	s4 =	simm.s32 $0x10  }
0x92: {  	[smem:s4], [sflag:s15] =	dma.local [hbm:s2], $0x1  }
0x93: {  	_ =	swait.eq [sflag:s15], $0x1  }
0x94: {  	[sflag:s15] =	ssyncset.done $0x0  }
0x95: {  	[sflag:s15] =	ssyncadd.s32 $0xFFFFFFFF  }
0x96: {  	s16 =	sld [smem:$0x11];
	(tm) =	ssettm $0x1  }
0x97: {  	s17 =	sld [smem:$0x3FFB];
	_ =	sdelay $0x3  }
0x98: {  	_ =	strace s17  }
0x99: {  	s3 =	sld [smem:$0x3FFC];
	_ =	sdelay $0x3  }
0x9a: {  	_ =	strace s3  }
0x9b: {  	s3 =	sld [smem:$0x3FFD];
	_ =	sdelay $0x3  }
0x9c: {  	_ =	strace s3  }
0x9d: {  	_ =	strace $0x8FFFFFFF  }
0x9e: {  	s18 =	sld [smem:$0x3FDB];
	_ =	sdelay $0x1  }
0x9f: {  	s19 =	simm.s32 $_scs_section_size  }
0xa0: {  	s5 =	simm.s32 $_size__tile_overlayer_lowered;
	s6 =	simm.s32 $_tile_overlayer_lowered  }
0xa1: {  	s22 =	simm.s32 $0x1BFF;
	s21 =	sshll.u32 s6, $0x1;
	s3 =	sadd.s32 s19, s18  }
0xa2: {  	s7 =	simm.s32 $0x0;
	s20 =	sshll.u32 s5, $0x1;
	s5 =	sadd.s32 s21, s3  }
0xa3: {  	[timem:s7], [sflag:s22] =	dma.local [hbm:s5], s20  }
0xa4: {  	_ =	swait.ge [sflag:s22], s20  }
0xa5: {  	s4 =	ssub.s32 $0x0, s20;
	[sflag:s22] =	ssyncset.done $0x0  }
0xa6: {  	[sflag:s22] =	ssyncadd.s32 s4;
	_ =	sdelay $0x1  }
0xa7: {  	s23 =	simm.s32 $0x1B8B  }
0xa8: {  	_ =	swait.ge [sflag:s23], $0x1  }
0xa9: {  	[sflag:s23] =	ssyncset.done $0x0  }
0xaa: {  	s25 =	simm.s32 $0x1B8E;
	s24 =	sld [smem:$0x3FFE];
	[sflag:s23] =	ssyncadd.s32 $0xFFFFFFFF  }
0xab: {  	s26 =	simm.s32 $execute0_lowered;
	[smem:$0x3FD2] =	sst s25  }
0xac: {  	s5 =	sshll.u32 s26, $0x1;
	_ =	strace $0x80000046;
	[dreg:$0x1] =	wrdreg $0xFFFFFFFF  }
0xad: {  	s28 =	simm.s32 $_size_execute0_lowered;
	s3 =	sadd.s32 s3, s5;
	[dreg:$0x0] =	wrdreg $0x0  }
0xae: {  	s5 =	sshll.u32 s28, $0x1;
	[dreg:$0x2] =	wrdreg s3  }
0xaf: {  	[dreg:$0x3] =	wrdreg s5  }
0xb0: {  	[dreg:$0x4] =	wrdreg $0xC0  }
0xb1: {  	_ =	task [dreg:s7], $0x5FFFF  }
0xb2: {  	[dreg:$0x1] =	wrdreg $0xFFFFFFFF  }
0xb3: {  	[dreg:$0x0] =	wrdreg $0x60  }
0xb4: {  	[dreg:$0x2] =	wrdreg s24  }
0xb5: {  	[dreg:$0x3] =	wrdreg s16  }
0xb6: {  	[dreg:$0x4] =	wrdreg $0x9  }
0xb7: {  	_ =	task.clear_ibuf [dreg:s7], $0x5FFFF;
	_ =	strace $0x90000046  }
0xb8: {  	s29 =	simm.s32 $0x9;
	_ =	strace $0x80000048  }
0xb9: {  	_ =	swait.ge [sflag:s29], $0x1  }
0xba: {  	[sflag:s29] =	ssyncadd.s32 $0xFFFFFFFF  }
0xbb: {  	_ =	strace $0x90000048  }
0xbc: {  	_ =	sfence  }
0xbd: {  	s30 =	sld [smem:$0x0];
	_ =	sdelay $0x2  }
0xbe: {  	s31 =	sshll.u32 s1, $0xD;
	s1 =	sshrl.u32 s1, $0x2  }
0xbf: {  	s3 =	sand.u32 $0x4000, s31;
	s1 =	sadd.s32 s1, s30  }
0xc0: {  	s0 =	sor.u32 s3, s0;
	s1 =	sshll.u32 s1, $0x11  }
0xc1: {  	s0 =	sor.u32 s1, s0  }
0xc2: {  	s0 =	sadd.s32 $0x8F2B, s0  }
0xc3: {  	[sflag:s0] =	ssyncadd.remote.s32 $0x1  }
0xc4: {  	_ =	sfence.sel $0xFFFF  }
0xc5: {  	[dreg:$0x0] =	wrdreg $0xFFFFFFFF;
	(pc) =	sbr.abs _section_cstart, $3  }
0xc6: {  	[dreg:$0x1] =	wrdreg $0xFFFFFFFF  }
0xc7: {  	_ =	task.clear_ibuf [dreg:s7], $0x2FFFF;
	_ =	strace $0x9FFFFFFF  }
0xc8: {  	(tm) =	ssettm $0x7FFFFFFF  }
0xc9: {  	_ =	shalt  }
tec
execute0_lowered:
.L_overlay_start_1:
0x0: {  	(tag) =	ssettag $0x1  }
0x1: {  	s0 =	rddreg [dreg:$0x0]  }
0x2: {  	s1 =	rddreg [dreg:$0x1]  }
0x3: {  	s2 =	srdreg.scid;
	s4 =	stileid.u32;
	s31 =	simm.s32 $0x1  }
0x4: {  	s24 =	simm.s32 $0x2400;
	s28 =	simm.s32 $0x0;
	s3 =	sand.u32 $0x1, s2  }
0x5: {  	s2 =	simm.s32 $0x0;
	s4 =	sshll.u32 s4, $0xB;
	s5 =	sshll.u32 s3, $0xA  }
0x6: {  	[smem:$0x7FF] =	sst s2;
	s3 =	ssub.s32 $0x2, s3;
	s9 =	sor.u32 s5, s4  }
0x7: {  	_ =	strace $0x80000047;
	s30 =	sshrl.u32 s3, $0x1;
	s22 =	sadd.s32 s9, s0  }
0x8: {  	s0 =	sadd.s32 $0x8C00, s0;
	s15 =	ssub.s32 s3, s30;
	s13 =	sshrl.u32 s9, $0x3  }
0x9: {  	s3 =	sadd.s32 $0xC00, s22;
	s4 =	sadd.s32 $0xC10, s22;
	s5 =	sadd.s32 $0xC20, s22  }
0xa: {  	s6 =	sadd.s32 $0xC30, s22;
	s7 =	sadd.s32 $0xC40, s22;
	s8 =	sadd.s32 $0xC50, s22  }
0xb: {  	s9 =	sadd.s32 $0xC60, s22;
	s10 =	sadd.s32 $0xC70, s22;
	s14 =	sor.u32 $0x1000, s13  }
0xc: {  	s11 =	sadd.s32 s1, s13;
	s13 =	sadd.s32 s0, s13;
	s15 =	smax.u32 s15, $0x1  }
0xd: {  	s16 =	sadd.s32 $0xC80, s22;
	s17 =	sadd.s32 $0xD00, s22;
	s18 =	sadd.s32 $0xD80, s22  }
0xe: {  	s19 =	sadd.s32 $0xE00, s22;
	s20 =	sadd.s32 $0xE80, s22;
	s21 =	sadd.s32 $0xF00, s22  }
0xf: {  	v0 =	vimm.s32 $0x0;
	s22 =	sadd.s32 $0xF80, s22;
	s12 =	sadd.s32 s1, s14;
	s14 =	sadd.s32 s0, s14  }
.LBB2_1:
0x10: {  	[tilespmem:s2], [sflag:$0x1] =	stream.linear.gather [hbm4b:s3+s2], $0x80, $0x38;
	[tilespmem:$0x3000] =	vst v63  }
0x11: {  	s0 =	simm.s32 $0x400  }
0x12: {  	[tilespmem:s0], [sflag:$0x1] =	stream.linear.gather [hbm4b:s16+s2], $0x80, $0x38;
	[tilespmem:$0x3000] =	vst v63  }
0x13: {  	s25 =	simm.s32 $0x800  }
0x14: {  	[tilespmem:s25], [sflag:$0x1] =	stream.linear.gather [hbm4b:s17+s2], $0x80, $0x38;
	[tilespmem:$0x3000] =	vst v63  }
0x15: {  	s26 =	simm.s32 $0xC00  }
0x16: {  	[tilespmem:s26], [sflag:$0x1] =	stream.linear.gather [hbm4b:s18+s2], $0x80, $0x38;
	[tilespmem:$0x3000] =	vst v63  }
0x17: {  	s1 =	simm.s32 $0x1000  }
0x18: {  	[tilespmem:s1], [sflag:$0x1] =	stream.linear.gather [hbm4b:s19+s2], $0x80, $0x38;
	[tilespmem:$0x3000] =	vst v63  }
0x19: {  	s23 =	simm.s32 $0x1400  }
0x1a: {  	[tilespmem:s23], [sflag:$0x1] =	stream.linear.gather [hbm4b:s20+s2], $0x80, $0x38;
	[tilespmem:$0x3000] =	vst v63  }
0x1b: {  	s25 =	simm.s32 $0x1800  }
0x1c: {  	[tilespmem:s25], [sflag:$0x1] =	stream.linear.gather [hbm4b:s21+s2], $0x80, $0x38;
	[tilespmem:$0x3000] =	vst v63  }
0x1d: {  	s26 =	simm.s32 $0x1C00  }
0x1e: {  	[tilespmem:s26], [sflag:$0x1] =	stream.linear.gather [hbm4b:s22+s2], $0x80, $0x38;
	[tilespmem:$0x3000] =	vst v63  }
0x1f: {  	_ =	swait.ge [sflag:s31], $0x400  }
0x20: {  	[sflag:s31] =	ssyncset.done $0x0  }
0x21: {  	s1 =	simm.s32 $0x80;
	[sflag:s31] =	ssyncadd.s32 $0xFFFFFC00  }
0x22: {  	[tilespmem:s1], [sflag:$0x1] =	stream.linear.gather [hbm4b:s4+s2], $0x80, $0x38;
	[tilespmem:$0x3000] =	vst v63  }
0x23: {  	s23 =	sadd.s32 $0x80, s4;
	s1 =	simm.s32 $0x480  }
0x24: {  	[tilespmem:s1], [sflag:$0x1] =	stream.linear.gather [hbm4b:s23+s2], $0x80, $0x38;
	[tilespmem:$0x3000] =	vst v63  }
0x25: {  	s25 =	sadd.s32 $0x100, s4;
	s26 =	simm.s32 $0x880  }
0x26: {  	[tilespmem:s26], [sflag:$0x1] =	stream.linear.gather [hbm4b:s25+s2], $0x80, $0x38;
	[tilespmem:$0x3000] =	vst v63  }
0x27: {  	s1 =	sadd.s32 $0x180, s4;
	s23 =	simm.s32 $0xC80  }
0x28: {  	[tilespmem:s23], [sflag:$0x1] =	stream.linear.gather [hbm4b:s1+s2], $0x80, $0x38;
	[tilespmem:$0x3000] =	vst v63  }
0x29: {  	s25 =	sadd.s32 $0x200, s4;
	s26 =	simm.s32 $0x1080  }
0x2a: {  	[tilespmem:s26], [sflag:$0x1] =	stream.linear.gather [hbm4b:s25+s2], $0x80, $0x38;
	[tilespmem:$0x3000] =	vst v63  }
0x2b: {  	s1 =	sadd.s32 $0x280, s4;
	s23 =	simm.s32 $0x1480  }
0x2c: {  	[tilespmem:s23], [sflag:$0x1] =	stream.linear.gather [hbm4b:s1+s2], $0x80, $0x38;
	[tilespmem:$0x3000] =	vst v63  }
0x2d: {  	s25 =	sadd.s32 $0x300, s4;
	s26 =	simm.s32 $0x1880  }
0x2e: {  	[tilespmem:s26], [sflag:$0x1] =	stream.linear.gather [hbm4b:s25+s2], $0x80, $0x38;
	[tilespmem:$0x3000] =	vst v63  }
0x2f: {  	s23 =	sadd.s32 $0x380, s4;
	s25 =	simm.s32 $0x1C80  }
0x30: {  	[tilespmem:s25], [sflag:$0x1] =	stream.linear.gather [hbm4b:s23+s2], $0x80, $0x38;
	[tilespmem:$0x3000] =	vst v63  }
0x31: {  	_ =	swait.ge [sflag:s31], $0x400  }
0x32: {  	[sflag:s31] =	ssyncset.done $0x0  }
0x33: {  	s26 =	simm.s32 $0x100;
	[sflag:s31] =	ssyncadd.s32 $0xFFFFFC00  }
0x34: {  	[tilespmem:s26], [sflag:$0x1] =	stream.linear.gather [hbm4b:s5+s2], $0x80, $0x38;
	[tilespmem:$0x3000] =	vst v63  }
0x35: {  	s1 =	sadd.s32 $0x80, s5;
	s23 =	simm.s32 $0x500  }
0x36: {  	[tilespmem:s23], [sflag:$0x1] =	stream.linear.gather [hbm4b:s1+s2], $0x80, $0x38;
	[tilespmem:$0x3000] =	vst v63  }
0x37: {  	s25 =	sadd.s32 $0x100, s5;
	s26 =	simm.s32 $0x900  }
0x38: {  	[tilespmem:s26], [sflag:$0x1] =	stream.linear.gather [hbm4b:s25+s2], $0x80, $0x38;
	[tilespmem:$0x3000] =	vst v63  }
0x39: {  	s1 =	sadd.s32 $0x180, s5;
	s23 =	simm.s32 $0xD00  }
0x3a: {  	[tilespmem:s23], [sflag:$0x1] =	stream.linear.gather [hbm4b:s1+s2], $0x80, $0x38;
	[tilespmem:$0x3000] =	vst v63  }
0x3b: {  	s25 =	sadd.s32 $0x200, s5;
	s26 =	simm.s32 $0x1100  }
0x3c: {  	[tilespmem:s26], [sflag:$0x1] =	stream.linear.gather [hbm4b:s25+s2], $0x80, $0x38;
	[tilespmem:$0x3000] =	vst v63  }
0x3d: {  	s1 =	sadd.s32 $0x280, s5;
	s23 =	simm.s32 $0x1500  }
0x3e: {  	[tilespmem:s23], [sflag:$0x1] =	stream.linear.gather [hbm4b:s1+s2], $0x80, $0x38;
	[tilespmem:$0x3000] =	vst v63  }
0x3f: {  	s25 =	sadd.s32 $0x300, s5;
	s26 =	simm.s32 $0x1900  }
0x40: {  	[tilespmem:s26], [sflag:$0x1] =	stream.linear.gather [hbm4b:s25+s2], $0x80, $0x38;
	[tilespmem:$0x3000] =	vst v63  }
0x41: {  	s23 =	sadd.s32 $0x380, s5;
	s25 =	simm.s32 $0x1D00  }
0x42: {  	[tilespmem:s25], [sflag:$0x1] =	stream.linear.gather [hbm4b:s23+s2], $0x80, $0x38;
	[tilespmem:$0x3000] =	vst v63  }
0x43: {  	_ =	swait.ge [sflag:s31], $0x400  }
0x44: {  	[sflag:s31] =	ssyncset.done $0x0  }
0x45: {  	s26 =	simm.s32 $0x180;
	[sflag:s31] =	ssyncadd.s32 $0xFFFFFC00  }
0x46: {  	[tilespmem:s26], [sflag:$0x1] =	stream.linear.gather [hbm4b:s6+s2], $0x80, $0x38;
	[tilespmem:$0x3000] =	vst v63  }
0x47: {  	s1 =	sadd.s32 $0x80, s6;
	s23 =	simm.s32 $0x580  }
0x48: {  	[tilespmem:s23], [sflag:$0x1] =	stream.linear.gather [hbm4b:s1+s2], $0x80, $0x38;
	[tilespmem:$0x3000] =	vst v63  }
0x49: {  	s25 =	sadd.s32 $0x100, s6;
	s26 =	simm.s32 $0x980  }
0x4a: {  	[tilespmem:s26], [sflag:$0x1] =	stream.linear.gather [hbm4b:s25+s2], $0x80, $0x38;
	[tilespmem:$0x3000] =	vst v63  }
0x4b: {  	s1 =	sadd.s32 $0x180, s6;
	s23 =	simm.s32 $0xD80  }
0x4c: {  	[tilespmem:s23], [sflag:$0x1] =	stream.linear.gather [hbm4b:s1+s2], $0x80, $0x38;
	[tilespmem:$0x3000] =	vst v63  }
0x4d: {  	s25 =	sadd.s32 $0x200, s6;
	s26 =	simm.s32 $0x1180  }
0x4e: {  	[tilespmem:s26], [sflag:$0x1] =	stream.linear.gather [hbm4b:s25+s2], $0x80, $0x38;
	[tilespmem:$0x3000] =	vst v63  }
0x4f: {  	s1 =	sadd.s32 $0x280, s6;
	s23 =	simm.s32 $0x1580  }
0x50: {  	[tilespmem:s23], [sflag:$0x1] =	stream.linear.gather [hbm4b:s1+s2], $0x80, $0x38;
	[tilespmem:$0x3000] =	vst v63  }
0x51: {  	s25 =	sadd.s32 $0x300, s6;
	s26 =	simm.s32 $0x1980  }
0x52: {  	[tilespmem:s26], [sflag:$0x1] =	stream.linear.gather [hbm4b:s25+s2], $0x80, $0x38;
	[tilespmem:$0x3000] =	vst v63  }
0x53: {  	s23 =	sadd.s32 $0x380, s6;
	s25 =	simm.s32 $0x1D80  }
0x54: {  	[tilespmem:s25], [sflag:$0x1] =	stream.linear.gather [hbm4b:s23+s2], $0x80, $0x38;
	[tilespmem:$0x3000] =	vst v63  }
0x55: {  	_ =	swait.ge [sflag:s31], $0x400  }
0x56: {  	[sflag:s31] =	ssyncset.done $0x0  }
0x57: {  	s26 =	simm.s32 $0x200;
	[sflag:s31] =	ssyncadd.s32 $0xFFFFFC00  }
0x58: {  	[tilespmem:s26], [sflag:$0x1] =	stream.linear.gather [hbm4b:s7+s2], $0x80, $0x38;
	[tilespmem:$0x3000] =	vst v63  }
0x59: {  	s1 =	sadd.s32 $0x80, s7;
	s23 =	simm.s32 $0x600  }
0x5a: {  	[tilespmem:s23], [sflag:$0x1] =	stream.linear.gather [hbm4b:s1+s2], $0x80, $0x38;
	[tilespmem:$0x3000] =	vst v63  }
0x5b: {  	s25 =	sadd.s32 $0x100, s7;
	s26 =	simm.s32 $0xA00  }
0x5c: {  	[tilespmem:s26], [sflag:$0x1] =	stream.linear.gather [hbm4b:s25+s2], $0x80, $0x38;
	[tilespmem:$0x3000] =	vst v63  }
0x5d: {  	s1 =	sadd.s32 $0x180, s7;
	s23 =	simm.s32 $0xE00  }
0x5e: {  	[tilespmem:s23], [sflag:$0x1] =	stream.linear.gather [hbm4b:s1+s2], $0x80, $0x38;
	[tilespmem:$0x3000] =	vst v63  }
0x5f: {  	s25 =	sadd.s32 $0x200, s7;
	s26 =	simm.s32 $0x1200  }
0x60: {  	[tilespmem:s26], [sflag:$0x1] =	stream.linear.gather [hbm4b:s25+s2], $0x80, $0x38;
	[tilespmem:$0x3000] =	vst v63  }
0x61: {  	s1 =	sadd.s32 $0x280, s7;
	s23 =	simm.s32 $0x1600  }
0x62: {  	[tilespmem:s23], [sflag:$0x1] =	stream.linear.gather [hbm4b:s1+s2], $0x80, $0x38;
	[tilespmem:$0x3000] =	vst v63  }
0x63: {  	s25 =	sadd.s32 $0x300, s7;
	s26 =	simm.s32 $0x1A00  }
0x64: {  	[tilespmem:s26], [sflag:$0x1] =	stream.linear.gather [hbm4b:s25+s2], $0x80, $0x38;
	[tilespmem:$0x3000] =	vst v63  }
0x65: {  	s23 =	sadd.s32 $0x380, s7;
	s25 =	simm.s32 $0x1E00  }
0x66: {  	[tilespmem:s25], [sflag:$0x1] =	stream.linear.gather [hbm4b:s23+s2], $0x80, $0x38;
	[tilespmem:$0x3000] =	vst v63  }
0x67: {  	_ =	swait.ge [sflag:s31], $0x400  }
0x68: {  	[sflag:s31] =	ssyncset.done $0x0  }
0x69: {  	s26 =	simm.s32 $0x280;
	[sflag:s31] =	ssyncadd.s32 $0xFFFFFC00  }
0x6a: {  	[tilespmem:s26], [sflag:$0x1] =	stream.linear.gather [hbm4b:s8+s2], $0x80, $0x38;
	[tilespmem:$0x3000] =	vst v63  }
0x6b: {  	s1 =	sadd.s32 $0x80, s8;
	s23 =	simm.s32 $0x680  }
0x6c: {  	[tilespmem:s23], [sflag:$0x1] =	stream.linear.gather [hbm4b:s1+s2], $0x80, $0x38;
	[tilespmem:$0x3000] =	vst v63  }
0x6d: {  	s25 =	sadd.s32 $0x100, s8;
	s26 =	simm.s32 $0xA80  }
0x6e: {  	[tilespmem:s26], [sflag:$0x1] =	stream.linear.gather [hbm4b:s25+s2], $0x80, $0x38;
	[tilespmem:$0x3000] =	vst v63  }
0x6f: {  	s1 =	sadd.s32 $0x180, s8;
	s23 =	simm.s32 $0xE80  }
0x70: {  	[tilespmem:s23], [sflag:$0x1] =	stream.linear.gather [hbm4b:s1+s2], $0x80, $0x38;
	[tilespmem:$0x3000] =	vst v63  }
0x71: {  	s25 =	sadd.s32 $0x200, s8;
	s26 =	simm.s32 $0x1280  }
0x72: {  	[tilespmem:s26], [sflag:$0x1] =	stream.linear.gather [hbm4b:s25+s2], $0x80, $0x38;
	[tilespmem:$0x3000] =	vst v63  }
0x73: {  	s1 =	sadd.s32 $0x280, s8;
	s23 =	simm.s32 $0x1680  }
0x74: {  	[tilespmem:s23], [sflag:$0x1] =	stream.linear.gather [hbm4b:s1+s2], $0x80, $0x38;
	[tilespmem:$0x3000] =	vst v63  }
0x75: {  	s25 =	sadd.s32 $0x300, s8;
	s26 =	simm.s32 $0x1A80  }
0x76: {  	[tilespmem:s26], [sflag:$0x1] =	stream.linear.gather [hbm4b:s25+s2], $0x80, $0x38;
	[tilespmem:$0x3000] =	vst v63  }
0x77: {  	s23 =	sadd.s32 $0x380, s8;
	s25 =	simm.s32 $0x1E80  }
0x78: {  	[tilespmem:s25], [sflag:$0x1] =	stream.linear.gather [hbm4b:s23+s2], $0x80, $0x38;
	[tilespmem:$0x3000] =	vst v63  }
0x79: {  	_ =	swait.ge [sflag:s31], $0x400  }
0x7a: {  	[sflag:s31] =	ssyncset.done $0x0  }
0x7b: {  	s26 =	simm.s32 $0x300;
	[sflag:s31] =	ssyncadd.s32 $0xFFFFFC00  }
0x7c: {  	[tilespmem:s26], [sflag:$0x1] =	stream.linear.gather [hbm4b:s9+s2], $0x80, $0x38;
	[tilespmem:$0x3000] =	vst v63  }
0x7d: {  	s1 =	sadd.s32 $0x80, s9;
	s23 =	simm.s32 $0x700  }
0x7e: {  	[tilespmem:s23], [sflag:$0x1] =	stream.linear.gather [hbm4b:s1+s2], $0x80, $0x38;
	[tilespmem:$0x3000] =	vst v63  }
0x7f: {  	s25 =	sadd.s32 $0x100, s9;
	s26 =	simm.s32 $0xB00  }
0x80: {  	[tilespmem:s26], [sflag:$0x1] =	stream.linear.gather [hbm4b:s25+s2], $0x80, $0x38;
	[tilespmem:$0x3000] =	vst v63  }
0x81: {  	s1 =	sadd.s32 $0x180, s9;
	s23 =	simm.s32 $0xF00  }
0x82: {  	[tilespmem:s23], [sflag:$0x1] =	stream.linear.gather [hbm4b:s1+s2], $0x80, $0x38;
	[tilespmem:$0x3000] =	vst v63  }
0x83: {  	s25 =	sadd.s32 $0x200, s9;
	s26 =	simm.s32 $0x1300  }
0x84: {  	[tilespmem:s26], [sflag:$0x1] =	stream.linear.gather [hbm4b:s25+s2], $0x80, $0x38;
	[tilespmem:$0x3000] =	vst v63  }
0x85: {  	s1 =	sadd.s32 $0x280, s9;
	s23 =	simm.s32 $0x1700  }
0x86: {  	[tilespmem:s23], [sflag:$0x1] =	stream.linear.gather [hbm4b:s1+s2], $0x80, $0x38;
	[tilespmem:$0x3000] =	vst v63  }
0x87: {  	s25 =	sadd.s32 $0x300, s9;
	s26 =	simm.s32 $0x1B00  }
0x88: {  	[tilespmem:s26], [sflag:$0x1] =	stream.linear.gather [hbm4b:s25+s2], $0x80, $0x38;
	[tilespmem:$0x3000] =	vst v63  }
0x89: {  	s23 =	sadd.s32 $0x380, s9;
	s25 =	simm.s32 $0x1F00  }
0x8a: {  	[tilespmem:s25], [sflag:$0x1] =	stream.linear.gather [hbm4b:s23+s2], $0x80, $0x38;
	[tilespmem:$0x3000] =	vst v63  }
0x8b: {  	_ =	swait.ge [sflag:s31], $0x400  }
0x8c: {  	[sflag:s31] =	ssyncset.done $0x0  }
0x8d: {  	s26 =	simm.s32 $0x380;
	[sflag:s31] =	ssyncadd.s32 $0xFFFFFC00  }
0x8e: {  	[tilespmem:s26], [sflag:$0x1] =	stream.linear.gather [hbm4b:s10+s2], $0x80, $0x38;
	[tilespmem:$0x3000] =	vst v63  }
0x8f: {  	s1 =	sadd.s32 $0x80, s10;
	s23 =	simm.s32 $0x780  }
0x90: {  	[tilespmem:s23], [sflag:$0x1] =	stream.linear.gather [hbm4b:s1+s2], $0x80, $0x38;
	[tilespmem:$0x3000] =	vst v63  }
0x91: {  	s25 =	sadd.s32 $0x100, s10;
	s26 =	simm.s32 $0xB80  }
0x92: {  	[tilespmem:s26], [sflag:$0x1] =	stream.linear.gather [hbm4b:s25+s2], $0x80, $0x38;
	[tilespmem:$0x3000] =	vst v63  }
0x93: {  	s1 =	sadd.s32 $0x180, s10;
	s23 =	simm.s32 $0xF80  }
0x94: {  	[tilespmem:s23], [sflag:$0x1] =	stream.linear.gather [hbm4b:s1+s2], $0x80, $0x38;
	[tilespmem:$0x3000] =	vst v63  }
0x95: {  	s25 =	sadd.s32 $0x200, s10;
	s26 =	simm.s32 $0x1380  }
0x96: {  	[tilespmem:s26], [sflag:$0x1] =	stream.linear.gather [hbm4b:s25+s2], $0x80, $0x38;
	[tilespmem:$0x3000] =	vst v63  }
0x97: {  	s1 =	sadd.s32 $0x280, s10;
	s23 =	simm.s32 $0x1780  }
0x98: {  	[tilespmem:s23], [sflag:$0x1] =	stream.linear.gather [hbm4b:s1+s2], $0x80, $0x38;
	[tilespmem:$0x3000] =	vst v63  }
0x99: {  	s25 =	sadd.s32 $0x300, s10;
	s26 =	simm.s32 $0x1B80  }
0x9a: {  	[tilespmem:s26], [sflag:$0x1] =	stream.linear.gather [hbm4b:s25+s2], $0x80, $0x38;
	[tilespmem:$0x3000] =	vst v63  }
0x9b: {  	s1 =	sadd.s32 $0x380, s10;
	s23 =	simm.s32 $0x1F80  }
0x9c: {  	[tilespmem:s23], [sflag:$0x1] =	stream.linear.gather [hbm4b:s1+s2], $0x80, $0x38;
	[tilespmem:$0x3000] =	vst v63  }
0x9d: {  	_ =	swait.ge [sflag:s31], $0x400  }
0x9e: {  	s25 =	sand.u32 $0x70, s2;
	s26 =	sand.u32 $0x1C00, s2;
	[sflag:s31] =	ssyncset.done $0x0  }
0x9f: {  	s0 =	sor.u32 s25, s26;
	[sflag:s31] =	ssyncadd.s32 $0xFFFFFC00  }
0xa0: {  	v1 =	vld [tilespmem:s0+$0x0]  }
0xa1: {  	v2 =	vld [tilespmem:s0+$0x80]  }
0xa2: {  	v3 =	vld [tilespmem:s0+$0x100]  }
0xa3: {  	v4 =	vld [tilespmem:s0+$0x180]  }
0xa4: {  	v5 =	vld [tilespmem:s0+$0x200]  }
0xa5: {  	v6 =	vld [tilespmem:s0+$0x280]  }
0xa6: {  	v7 =	vld [tilespmem:s0+$0x300];
	v8 =	vmax.f32 v1, v2  }
0xa7: {  	v9 =	vld [tilespmem:s0+$0x380];
	v8 =	vmax.f32 v8, v3  }
0xa8: {  	v8 =	vmax.f32 v8, v4  }
0xa9: {  	v8 =	vmax.f32 v8, v5  }
0xaa: {  	v8 =	vmax.f32 v8, v6  }
0xab: {  	v8 =	vmax.f32 v8, v7  }
0xac: {  	v8 =	vmax.f32 v8, v9  }
0xad: {  	vm0 =	veq.f32 v9, v8  }
0xae: {  	vm1 =	veq.f32 v7, v8;
	v10 =	vsel vm0, $0x7, v0  }
0xaf: {  	vm7 =	veq.f32 v6, v8;
	v10 =	vsel vm1, $0x6, v10  }
0xb0: {  	vm8 =	veq.f32 v5, v8;
	v10 =	vsel vm7, $0x5, v10  }
0xb1: {  	vm9 =	veq.f32 v4, v8;
	v10 =	vsel vm8, $0x4, v10  }
0xb2: {  	vm10 =	veq.f32 v3, v8;
	v10 =	vsel vm9, $0x3, v10  }
0xb3: {  	vm11 =	veq.f32 v2, v8;
	v10 =	vsel vm10, $0x2, v10  }
0xb4: {  	vm12 =	vne.f32 v1, v8;
	v10 =	vsel vm11, $0x1, v10  }
0xb5: {  	v10 =	vnsel vm12, $0x0, v10  }
0xb6: {  	vm0 =	vmand vm12, vm11;
	vm13 =	veq.s32 v10, $0x0  }
0xb7: {  	v2 =	vsel vm0, $0xFF800000, v2;
	vm14 =	veq.s32 v10, $0x2;
	v11 =	vsel vm13, $0xFF800000, v1  }
0xb8: {  	vm15 =	veq.s32 v10, $0x3;
	v3 =	vsel vm14, $0xFF800000, v3;
	v1 =	vmax.f32 v11, v2  }
0xb9: {  	vm4 =	veq.s32 v10, $0x4;
	v4 =	vsel vm15, $0xFF800000, v4;
	v1 =	vmax.f32 v1, v3  }
0xba: {  	vm5 =	veq.s32 v10, $0x5;
	v5 =	vsel vm4, $0xFF800000, v5;
	v1 =	vmax.f32 v1, v4  }
0xbb: {  	vm6 =	veq.s32 v10, $0x6;
	v6 =	vsel vm5, $0xFF800000, v6;
	v1 =	vmax.f32 v1, v5  }
0xbc: {  	vm7 =	veq.s32 v10, $0x7;
	v7 =	vsel vm6, $0xFF800000, v7;
	v1 =	vmax.f32 v1, v6  }
0xbd: {  	v9 =	vsel vm7, $0xFF800000, v9;
	v1 =	vmax.f32 v1, v7  }
0xbe: {  	v12 =	vmax.f32 v1, v9  }
0xbf: {  	v1 =	vsub.f32 v12, v8;
	_ =	sdelay $0x1  }
0xc0: {  	v1 =	vmul.f32 $3.125000000e-02, v1;
	_ =	sdelay $0x1  }
0xc1: {  	v1 =	vmul.f32 $1.442695020e+00, v1;
	_ =	sdelay $0x1  }
0xc2: {  	(erf) = vpow2.f32 v1;
	_ =	sdelay $0x8  }
0xc3: {  	v1 =	vpop (erf)  }
0xc4: {  	vm8 =	veq.f32 v9, v12;
	v61 =	vadd.f32 $1.000000000e+00, v1  }
0xc5: {  	vm9 =	veq.f32 v7, v12;
	v62 =	vsel vm8, $0x7, v0  }
0xc6: {  	vm10 =	veq.f32 v6, v12;
	v7 =	vsel vm9, $0x6, v62;
	(erf) = vrcp.f32 v61  }
0xc7: {  	vm11 =	veq.f32 v5, v12;
	v6 =	vsel vm10, $0x5, v7  }
0xc8: {  	vm12 =	veq.f32 v4, v12;
	v63 =	vsel vm11, $0x4, v6  }
0xc9: {  	vm13 =	veq.f32 v3, v12;
	v3 =	vsel vm12, $0x3, v63  }
0xca: {  	vm14 =	veq.f32 v2, v12;
	v2 =	vsel vm13, $0x2, v3  }
0xcb: {  	vm15 =	veq.f32 v11, v12;
	v2 =	vsel vm14, $0x1, v2  }
0xcc: {  	v2 =	vsel vm15, $0x0, v2;
	_ =	sdelay $0x1  }
0xcd: {  	s29 =	simm.s32 $0x10;
	s30 =	simm.s32 $0x2C00;
	[tilespmem:s24+$0xFFFFFC00] =	vst v10  }
0xce: {  	s1 =	simm.s32 $0x2C00;
	s23 =	simm.s32 $0x2400;
	s0 =	simm.s32 $0x0;
	[tilespmem:s24+$0x0] =	vst v2;
	v2 =	vpop (erf)  }
.LBB2_2:
0xcf: {  	v1 =	vmul.f32 v2, v1;
	[tilespmem:s30+$0xFFFFFC00] =	vst v2;
	s0 =	sadd.s32 $0x80, s0;
	s1 =	sadd.s32 $0x10, s1;
	s23 =	sadd.s32 $0x10, s23  }
0xd0: {  	s25 =	sand.u32 $0x70, s29;
	p0 =	sne.s32 s29, $0x3F0;
	s26 =	sand.u32 $0x1C00, s0  }
0xd1: {  	s29 =	sadd.s32 $0x10, s29;
	s25 =	sor.u32 s25, s26;
	[tilespmem:s30+$0x0] =	vst v1;
	s30 =	smov.u32 s1  }
0xd2: {  	v1 =	vld [tilespmem:s25+$0x100]  }
0xd3: {  	v2 =	vld [tilespmem:s25+$0x0]  }
0xd4: {  	v3 =	vld [tilespmem:s25+$0x80]  }
0xd5: {  	v4 =	vld [tilespmem:s25+$0x180]  }
0xd6: {  	v5 =	vld [tilespmem:s25+$0x200]  }
0xd7: {  	v6 =	vld [tilespmem:s25+$0x280]  }
0xd8: {  	v7 =	vld [tilespmem:s25+$0x300]  }
0xd9: {  	v8 =	vld [tilespmem:s25+$0x380];
	v9 =	vmax.f32 v2, v3  }
0xda: {  	v9 =	vmax.f32 v9, v1  }
0xdb: {  	v9 =	vmax.f32 v9, v4  }
0xdc: {  	v9 =	vmax.f32 v9, v5  }
0xdd: {  	v9 =	vmax.f32 v9, v6  }
0xde: {  	v9 =	vmax.f32 v9, v7  }
0xdf: {  	v9 =	vmax.f32 v9, v8  }
0xe0: {  	vm0 =	veq.f32 v8, v9;
	vm1 =	veq.f32 v7, v9;
	vm2 =	vne.f32 v2, v9  }
0xe1: {  	vm3 =	veq.f32 v1, v9;
	v10 =	vsel vm0, $0x7, v0;
	vm0 =	veq.f32 v6, v9  }
0xe2: {  	vm4 =	veq.f32 v3, v9;
	v10 =	vsel vm1, $0x6, v10;
	vm1 =	veq.f32 v5, v9  }
0xe3: {  	vm5 =	vmand vm2, vm4;
	v10 =	vsel vm0, $0x5, v10;
	vm0 =	veq.f32 v4, v9  }
0xe4: {  	v3 =	vsel vm5, $0xFF800000, v3;
	v10 =	vsel vm1, $0x4, v10  }
0xe5: {  	v10 =	vsel vm0, $0x3, v10  }
0xe6: {  	v10 =	vsel vm3, $0x2, v10  }
0xe7: {  	v10 =	vsel vm4, $0x1, v10  }
0xe8: {  	v10 =	vnsel vm2, $0x0, v10  }
0xe9: {  	vm0 =	veq.s32 v10, $0x0;
	vm1 =	veq.s32 v10, $0x2;
	vm2 =	veq.s32 v10, $0x3;
	[tilespmem:s23+$0xFFFFFC00] =	vst v10  }
0xea: {  	v2 =	vsel vm0, $0xFF800000, v2;
	v1 =	vsel vm1, $0xFF800000, v1;
	vm0 =	veq.s32 v10, $0x4  }
0xeb: {  	v4 =	vsel vm2, $0xFF800000, v4;
	vm1 =	veq.s32 v10, $0x5;
	v11 =	vmax.f32 v2, v3  }
0xec: {  	v5 =	vsel vm0, $0xFF800000, v5;
	vm0 =	veq.s32 v10, $0x6;
	v11 =	vmax.f32 v11, v1  }
0xed: {  	v6 =	vsel vm1, $0xFF800000, v6;
	vm1 =	veq.s32 v10, $0x7;
	v10 =	vmax.f32 v11, v4  }
0xee: {  	v7 =	vsel vm0, $0xFF800000, v7;
	v10 =	vmax.f32 v10, v5  }
0xef: {  	v8 =	vsel vm1, $0xFF800000, v8;
	v10 =	vmax.f32 v10, v6  }
0xf0: {  	v10 =	vmax.f32 v10, v7  }
0xf1: {  	v10 =	vmax.f32 v10, v8  }
0xf2: {  	vm0 =	veq.f32 v8, v10;
	vm1 =	veq.f32 v7, v10;
	v7 =	vsub.f32 v10, v9  }
0xf3: {  	vm2 =	veq.f32 v1, v10;
	v8 =	vsel vm0, $0x7, v0;
	vm0 =	veq.f32 v4, v10  }
0xf4: {  	v1 =	vsel vm1, $0x6, v8;
	vm1 =	veq.f32 v6, v10;
	v4 =	vmul.f32 $3.125000000e-02, v7  }
0xf5: {  	vm3 =	veq.f32 v3, v10;
	v1 =	vsel vm1, $0x5, v1;
	vm1 =	veq.f32 v5, v10  }
0xf6: {  	v1 =	vsel vm1, $0x4, v1;
	vm1 =	veq.f32 v2, v10;
	v2 =	vmul.f32 $1.442695020e+00, v4  }
0xf7: {  	v1 =	vsel vm0, $0x3, v1  }
0xf8: {  	v1 =	vsel vm2, $0x2, v1;
	(erf) = vpow2.f32 v2  }
0xf9: {  	v1 =	vsel vm3, $0x1, v1  }
0xfa: {  	v1 =	vsel vm1, $0x0, v1  }
0xfb: {  	[tilespmem:s23+$0x0] =	vst v1;
	_ =	sdelay $0x5  }
0xfc: {  	v1 =	vpop (erf)  }
0xfd: {  	v2 =	vadd.f32 $1.000000000e+00, v1;
	_ =	sdelay $0x1  }
0xfe: {  	(erf) = vrcp.f32 v2;
	_ =	sdelay $0x4  }
.Ltmp0:
0xff: {  	(pc) =	sbr.rel @p0 .LBB2_2-.Ltmp0, $2  }
0x100: {  	_ =	sdelay $0x2  }
0x101: {  	v2 =	vpop (erf)  }
0x102: {  	v1 =	vmul.f32 v2, v1  }
0x103: {  	[tilespmem:s30+$0xFFFFFC00] =	vst v2  }
0x104: {  	s0 =	simm.s32 $0x2000;
	[tilespmem:s30+$0x0] =	vst v1  }
0x105: {  	[hbm4b:s11+s2] =	stream.linear.scatter [tilespmem:s0], [sflag:$0x1], $0x400, $0x38;
	[tilespmem:$0x3000] =	vst v63  }
0x106: {  	_ =	swait.ge [sflag:s31], $0x400  }
0x107: {  	[sflag:s31] =	ssyncset.done $0x0  }
0x108: {  	[sflag:s31] =	ssyncadd.s32 $0xFFFFFC00  }
0x109: {  	[hbm4b:s12+s2] =	stream.linear.scatter [tilespmem:s24], [sflag:$0x1], $0x400, $0x38;
	[tilespmem:$0x3000] =	vst v63  }
0x10a: {  	_ =	swait.ge [sflag:s31], $0x400  }
0x10b: {  	[sflag:s31] =	ssyncset.done $0x0  }
0x10c: {  	s29 =	simm.s32 $0x2800;
	[sflag:s31] =	ssyncadd.s32 $0xFFFFFC00  }
0x10d: {  	[hbm4b:s13+s2] =	stream.linear.scatter [tilespmem:s29], [sflag:$0x1], $0x400, $0x38;
	[tilespmem:$0x3000] =	vst v63  }
0x10e: {  	s28 =	sadd.s32 $0x1, s28;
	_ =	swait.ge [sflag:s31], $0x400  }
0x10f: {  	p0 =	sne.s32 s28, s15;
	[sflag:s31] =	ssyncset.done $0x0  }
.Ltmp1:
0x110: {  	s30 =	simm.s32 $0x2C00;
	[sflag:s31] =	ssyncadd.s32 $0xFFFFFC00;
	(pc) =	sbr.rel @p0 .LBB2_1-.Ltmp1, $4  }
0x111: {  	[hbm4b:s14+s2] =	stream.linear.scatter [tilespmem:s30], [sflag:$0x1], $0x400, $0x38;
	[tilespmem:$0x3000] =	vst v63  }
0x112: {  	_ =	swait.ge [sflag:s31], $0x400  }
0x113: {  	[sflag:s31] =	ssyncset.done $0x0  }
0x114: {  	[sflag:s31] =	ssyncadd.s32 $0xFFFFFC00  }
0x115: {  	_ =	sfence.sel $0x180000  }
0x116: {  	[bflag:$0x0] =	sbarrier.arrive $0xFFFF  }
0x117: {  	_ =	strace $0x90000047  }
0x118: {  	s0 =	stileid.u32;
	[bflag:$0x2] =	sbarrier.arrive $0xFFFF  }
0x119: {  	p0 =	sne.s32 s0, $0x0;
	s0 =	rddreg [dreg:$0x2]  }
0x11a: {  	s0 =	sadd.s32 @!p0 $0x100000, s0  }
0x11b: {  	[sflag:s0] =	ssyncadd.tile.s32 @!p0 $0x1;
	_ =	shalt  }
.Lfunc_end2:
_tile_overlayer_lowered:
.L_overlay_start_2:
0x11c: {  	(tag) =	ssettag $0x2  }
0x11d: {  	s0 =	rddreg [dreg:$0x0];
	s2 =	stileid.u32  }
0x11e: {  	s1 =	rddreg [dreg:$0x1];
	p0 =	sne.s32 s2, $0x0  }
0x11f: {  	s3 =	rddreg [dreg:$0x2];
	[bflag:$0x3] =	sbarrier.arrive $0xFFFF;
	s2 =	simm.s32 @!p0 $0x1C01  }
0x120: {  	[timem:s3], [sflag:s2] =	dma.local @!p0 [hbm:s0], s1  }
0x121: {  	s0 =	simm.s32 @!p0 $0x1  }
0x122: {  	_ =	swait.ge @!p0 [sflag:s0], s1  }
0x123: {  	s1 =	ssub.s32 @!p0 $0x0, s1;
	[sflag:s0] =	ssyncset.done @!p0 $0x0  }
0x124: {  	[sflag:s0] =	ssyncadd.s32 @!p0 s1  }
0x125: {  	[bflag:$0x3] =	sbarrier.arrive $0xFFFF  }
0x126: {  	_ =	shalt  }

</sc_bundles>
